<compile_context>
chip_gen: v7x
topology: tpu7x:2x2x1
jax: 0.10.2.dev20260603
libtpu: 0.0.44.dev20260713+nightly
codegen_flags: <defaults>
</compile_context>

<pallas_src>
import functools

import jax
import jax.numpy as jnp
from jax import lax
from jax.experimental import pallas as pl
from jax.experimental.pallas import tpu as pltpu
from jax.experimental.pallas import tpu_sc as plsc

N = 10000
NP = 10240
E = 160000
D0, D1, D2, K = 256, 128, 32, 10
NC, NS, L = 2, 16, 16
NW = NC * NS
EW = 5120
C = 64
CH = EW // C
EP = NW * EW
RB = 128
GRID = NP // RB
RB1 = 200
GRID1 = N // RB1
SEG = NP // NS

_SCPARAMS = dict(needs_layout_passes=False)


@functools.cache
def _mesh():
    return plsc.VectorSubcoreMesh(
        core_axis_name="c", subcore_axis_name="s",
        num_cores=NC, num_subcores=NS)



def _tc1_body(f_ref, w_ref, asrc_ref, adst_ref, h_ref, s_ref, d_ref):
    h = jnp.dot(f_ref[...], w_ref[...], preferred_element_type=jnp.float32)
    h_ref[...] = h
    s_ref[...] = jnp.sum(h * asrc_ref[...], axis=1)[None, None, :]
    d_ref[...] = jnp.sum(h * adst_ref[...], axis=1)[None, None, :]


def _tc1(features, W_enc, asrc2, adst2):
    return pl.pallas_call(
        _tc1_body,
        grid=(GRID1,),
        in_specs=[pl.BlockSpec((RB1, D0), lambda i: (i, 0)),
                  pl.BlockSpec((D0, D1), lambda i: (0, 0)),
                  pl.BlockSpec((1, D1), lambda i: (0, 0)),
                  pl.BlockSpec((1, D1), lambda i: (0, 0))],
        out_specs=[pl.BlockSpec((RB1, D1), lambda i: (i, 0)),
                   pl.BlockSpec((1, 1, RB1), lambda i: (i, 0, 0)),
                   pl.BlockSpec((1, 1, RB1), lambda i: (i, 0, 0))],
        out_shape=[jax.ShapeDtypeStruct((N, D1), jnp.float32),
                   jax.ShapeDtypeStruct((GRID1, 1, RB1), jnp.float32),
                   jax.ShapeDtypeStruct((GRID1, 1, RB1), jnp.float32)],
    )(features, W_enc, asrc2, adst2)



@functools.cache
def _scb_kernel():
    return pl.kernel(
        _scb_body,
        out_type=[jax.ShapeDtypeStruct((EP,), jnp.float32),
                  jax.ShapeDtypeStruct((NC, NP), jnp.float32),
                  jax.ShapeDtypeStruct((NC, NP, D1), jnp.float32)],
        mesh=_mesh(),
        compiler_params=pltpu.CompilerParams(**_SCPARAMS),
        scratch_types=[pltpu.VMEM((N,), jnp.float32),
                       pltpu.VMEM((N,), jnp.float32)]
                      + [pltpu.VMEM((C,), jnp.int32)] * 4
                      + [pltpu.VMEM((C,), jnp.float32)] * 2
                      + [pltpu.VMEM((C, D1), jnp.float32)] * 2
                      + [pltpu.SemaphoreType.DMA] * 6
                      + [pltpu.VMEM_SHARED((NP,), jnp.float32),
                         pltpu.VMEM_SHARED((NP, D1), jnp.float32)])


def _scb_body(src_hbm, dst_hbm, s_hbm, d_hbm, z1_hbm, z2_hbm, h_hbm,
              e_hbm, denp_hbm, encp_hbm,
              s_v, d_v, srci0, srci1, dsti0, dsti1,
              e0, e1, rows0, rows1,
              sem_l0, sem_l1, sem_g0, sem_g1, sem_o0, sem_o1,
              den_sp, acc_sp):
    cid = lax.axis_index("c")
    sid = lax.axis_index("s")
    wid = sid * NC + cid
    srci = (srci0, srci1)
    dsti = (dsti0, dsti1)
    ev = (e0, e1)
    rows = (rows0, rows1)
    sem_l = (sem_l0, sem_l1)
    sem_g = (sem_g0, sem_g1)
    sem_o = (sem_o0, sem_o1)
    pltpu.sync_copy(s_hbm, s_v)
    pltpu.sync_copy(d_hbm, d_v)
    pltpu.sync_copy(z1_hbm, den_sp.at[pl.ds(sid * SEG, SEG)])
    pltpu.sync_copy(z2_hbm, acc_sp.at[pl.ds(sid * SEG, SEG), :])
    plsc.subcore_barrier()
    iota = lax.broadcasted_iota(jnp.int32, (L,), 0)

    def round_(t, carry):
        base0 = wid * EW + 2 * t * C
        bases = (base0, base0 + C)
        gs = []
        outs = []
        for b in range(2):
            pltpu.sync_copy(src_hbm.at[pl.ds(bases[b], C)], srci[b])
            pltpu.sync_copy(dst_hbm.at[pl.ds(bases[b], C)], dsti[b])
            gs.append(pltpu.async_copy(h_hbm.at[srci[b]], rows[b], sem_g[b]))
        for b in range(2):
            for g in range(C // L):
                si = srci[b][pl.ds(g * L, L)]
                di = dsti[b][pl.ds(g * L, L)]
                lg = plsc.load_gather(s_v, [si]) + plsc.load_gather(d_v, [di])
                lg = jnp.where(lg >= 0, lg, 0.2 * lg)
                e = jnp.exp(lg)
                eid = bases[b] + g * L + iota
                ev[b][pl.ds(g * L, L)] = jnp.where(eid < E, e, 0.0)
            outs.append(pltpu.async_copy(
                ev[b], e_hbm.at[pl.ds(bases[b], C)], sem_o[b]))
            pltpu.sync_copy(ev[b], den_sp.at[dsti[b]], add=True)
        for b in range(2):
            gs[b].wait()
            rb_ref = rows[b]
            ab_ref = ev[b]

            def scale(i, carry2, rb_ref=rb_ref, ab_ref=ab_ref):
                ab = plsc.load_gather(ab_ref, [jnp.zeros((L,), jnp.int32) + i])
                for k in range(D1 // L):
                    rb_ref[i, pl.ds(k * L, L)] = rb_ref[i, pl.ds(k * L, L)] * ab
                return carry2

            lax.fori_loop(0, C, scale, 0, unroll=2)
            pltpu.sync_copy(rows[b], acc_sp.at[dsti[b]], add=True)
        for cp in outs:
            cp.wait()
        return carry

    lax.fori_loop(0, CH // 2, round_, 0)
    plsc.subcore_barrier()
    pltpu.sync_copy(den_sp.at[pl.ds(sid * SEG, SEG)],
                    denp_hbm.at[cid, pl.ds(sid * SEG, SEG)])
    pltpu.sync_copy(acc_sp.at[pl.ds(sid * SEG, SEG), :],
                    encp_hbm.at[cid, pl.ds(sid * SEG, SEG), :])



@functools.cache
def _scc_kernel():
    return pl.kernel(
        _scc_body,
        out_type=[jax.ShapeDtypeStruct((NC, NP, D2), jnp.float32)],
        mesh=_mesh(),
        compiler_params=pltpu.CompilerParams(use_tc_tiling_on_sc=False,
                                             **_SCPARAMS),
        scratch_types=[pltpu.VMEM((C,), jnp.int32)] * 4
                      + [pltpu.VMEM((C,), jnp.float32)] * 2
                      + [pltpu.VMEM((C, D2), jnp.float32)] * 2
                      + [pltpu.SemaphoreType.DMA] * 6
                      + [pltpu.VMEM_SHARED((NP, D2), jnp.float32)])


def _scc_body(src_hbm, dst_hbm, e_hbm, lat_hbm, z3_hbm,
              aggp_hbm,
              srci0, srci1, dsti0, dsti1, al0, al1, rows0, rows1,
              sem_l0, sem_l1, sem_g0, sem_g1, sem_o0, sem_o1, acc_sp):
    cid = lax.axis_index("c")
    sid = lax.axis_index("s")
    wid = sid * NC + cid
    srci = (srci0, srci1)
    dsti = (dsti0, dsti1)
    al = (al0, al1)
    rows = (rows0, rows1)
    sem_l = (sem_l0, sem_l1)
    sem_g = (sem_g0, sem_g1)
    sem_o = (sem_o0, sem_o1)
    pltpu.sync_copy(z3_hbm, acc_sp.at[pl.ds(sid * SEG, SEG), :])
    plsc.subcore_barrier()

    def round_(t, carry):
        base0 = wid * EW + 2 * t * C
        bases = (base0, base0 + C)
        gs = []
        for b in range(2):
            pltpu.sync_copy(src_hbm.at[pl.ds(bases[b], C)], srci[b])
            pltpu.sync_copy(dst_hbm.at[pl.ds(bases[b], C)], dsti[b])
            pltpu.sync_copy(e_hbm.at[pl.ds(bases[b], C)], al[b])
            gs.append(pltpu.async_copy(lat_hbm.at[srci[b]], rows[b], sem_g[b]))
        for b in range(2):
            gs[b].wait()
            rb_ref = rows[b]
            ab_ref = al[b]

            def scale(i, carry2, rb_ref=rb_ref, ab_ref=ab_ref):
                ab = plsc.load_gather(ab_ref, [jnp.zeros((L,), jnp.int32) + i])
                for k in range(D2 // L):
                    rb_ref[i, pl.ds(k * L, L)] = rb_ref[i, pl.ds(k * L, L)] * ab
                return carry2

            lax.fori_loop(0, C, scale, 0, unroll=4)
            pltpu.sync_copy(rows[b], acc_sp.at[dsti[b]], add=True)
        return carry

    lax.fori_loop(0, CH // 2, round_, 0)
    plsc.subcore_barrier()
    pltpu.sync_copy(acc_sp.at[pl.ds(sid * SEG, SEG), :],
                    aggp_hbm.at[cid, pl.ds(sid * SEG, SEG), :])



def _tc2_body(encp_ref, dp0_ref, dp1_ref, w1_ref, cent_ref, lat_ref, q_ref):
    den = dp0_ref[...] + dp1_ref[...] + 1e-16
    enc = (encp_ref[0] + encp_ref[1]) / den
    enc = jnp.where(enc > 0, enc, jnp.exp(jnp.minimum(enc, 0.0)) - 1.0)
    lat = jnp.dot(enc, w1_ref[...], preferred_element_type=jnp.float32)
    lat_ref[...] = lat
    cent = cent_ref[...]
    gmat = lax.dot_general(lat, cent, (((1,), (1,)), ((), ())),
                           preferred_element_type=jnp.float32)
    l2 = jnp.sum(lat * lat, axis=1, keepdims=True)
    c2 = jnp.sum(cent * cent, axis=1)[None, :]
    d2 = l2 - 2.0 * gmat + c2
    qu = 1.0 / (1.0 + d2 + 1e-6)
    q_ref[...] = qu / jnp.sum(qu, axis=1, keepdims=True)


def _tc2(encp, dp0, dp1, W1, centroids):
    return pl.pallas_call(
        _tc2_body,
        grid=(GRID,),
        in_specs=[pl.BlockSpec((NC, RB, D1), lambda i: (0, i, 0)),
                  pl.BlockSpec((RB, 1), lambda i: (i, 0)),
                  pl.BlockSpec((RB, 1), lambda i: (i, 0)),
                  pl.BlockSpec((D1, D2), lambda i: (0, 0)),
                  pl.BlockSpec((K, D2), lambda i: (0, 0))],
        out_specs=[pl.BlockSpec((RB, D2), lambda i: (i, 0)),
                   pl.BlockSpec((RB, K), lambda i: (i, 0))],
        out_shape=[jax.ShapeDtypeStruct((NP, D2), jnp.float32),
                   jax.ShapeDtypeStruct((NP, K), jnp.float32)],
    )(encp, dp0, dp1, W1, centroids)



def _tc3_body(ap_ref, dp0_ref, dp1_ref, w1_ref, wenc_ref, recon_ref):
    den = dp0_ref[...] + dp1_ref[...] + 1e-16
    agg = (ap_ref[0] + ap_ref[1]) / den
    dec = lax.dot_general(agg, w1_ref[...], (((1,), (1,)), ((), ())),
                          preferred_element_type=jnp.float32)
    dec = jnp.where(dec > 0, dec, jnp.exp(jnp.minimum(dec, 0.0)) - 1.0)
    recon_ref[...] = lax.dot_general(dec, wenc_ref[...], (((1,), (1,)), ((), ())),
                                     preferred_element_type=jnp.float32)


def _tc3(aggp, dp0, dp1, W1, W_enc):
    return pl.pallas_call(
        _tc3_body,
        grid=(GRID,),
        in_specs=[pl.BlockSpec((NC, RB, D2), lambda i: (0, i, 0)),
                  pl.BlockSpec((RB, 1), lambda i: (i, 0)),
                  pl.BlockSpec((RB, 1), lambda i: (i, 0)),
                  pl.BlockSpec((D1, D2), lambda i: (0, 0)),
                  pl.BlockSpec((D0, D1), lambda i: (0, 0))],
        out_specs=pl.BlockSpec((RB, D0), lambda i: (i, 0)),
        out_shape=jax.ShapeDtypeStruct((NP, D0), jnp.float32),
    )(aggp, dp0, dp1, W1, W_enc)


def kernel(features, edge_index, W_enc, att_src, att_dst, W1, centroids):
    src = edge_index[0].astype(jnp.int32)
    dst = edge_index[1].astype(jnp.int32)
    pad = EP - E
    src_p = jnp.concatenate([src, jnp.zeros((pad,), jnp.int32)])
    dst_p = jnp.concatenate([dst, jnp.arange(pad, dtype=jnp.int32)])
    z1 = jnp.zeros((SEG,), jnp.float32)
    z2 = jnp.zeros((SEG, D1), jnp.float32)
    z3 = jnp.zeros((SEG, D2), jnp.float32)
    asrc2 = att_src.reshape(1, D1)
    adst2 = att_dst.reshape(1, D1)

    h, s2, d2m = _tc1(features, W_enc, asrc2, adst2)
    s = s2.reshape(N)
    dv = d2m.reshape(N)
    e_all, denp, encp = _scb_kernel()(src_p, dst_p, s, dv, z1, z2, h)
    dp0 = denp[0].reshape(NP, 1)
    dp1 = denp[1].reshape(NP, 1)
    latent, q = _tc2(encp, dp0, dp1, W1, centroids)
    (aggp,) = _scc_kernel()(src_p, dst_p, e_all, latent, z3)
    recon = _tc3(aggp, dp0, dp1, W1, W_enc)
    return latent[:N], recon[:N], q[:N]

# --- scband reference (transcript-rebuilt; emitter-appended) ---
"""Pipeline reference for scband-st-integration-24584392802320 (READ-ONLY COPY).

The authoritative reference and input builder live on the scoring server;
editing this copy changes nothing except your own understanding.
"""

import jax, jax.numpy as jnp
import numpy as np

N = 10000
E = 160000
D0, D1, D2 = 256, 128, 32
K = 10


def setup_inputs(seed: int = 0) -> dict:
    key = jax.random.key(seed)
    ks = jax.random.split(key, 8)
    features = jax.random.normal(ks[0], (N, D0), dtype=jnp.float32)
    edge_index = jax.random.randint(ks[1], (2, E), 0, N)
    # learned parameters (xavier-normal-ish, matching reset_parameters gain=1.414 where applicable)
    W_enc = jax.random.normal(ks[2], (D0, D1), dtype=jnp.float32) * np.sqrt(2.0 / (D0 + D1))
    att_src = jax.random.normal(ks[3], (D1,), dtype=jnp.float32) * 0.1
    att_dst = jax.random.normal(ks[4], (D1,), dtype=jnp.float32) * 0.1
    W1 = jax.random.normal(ks[5], (D1, D2), dtype=jnp.float32) * (1.414 * np.sqrt(2.0 / (D1 + D2)))
    centroids = jax.random.normal(ks[6], (K, D2), dtype=jnp.float32)
    return {"features": features, "edge_index": edge_index, "W_enc": W_enc,
            "att_src": att_src, "att_dst": att_dst, "W1": W1, "centroids": centroids}


def _segment_softmax(logits, seg, num):
    m = jax.ops.segment_max(logits, seg, num_segments=num)
    e = jnp.exp(logits - m[seg])
    s = jax.ops.segment_sum(e, seg, num_segments=num)
    return e / (s[seg] + 1e-16)


def _gat(x, W, a_src, a_dst, src, dst, num, alphas=None):
    # single-head GATConv (STAligner-style): h = x @ W; attention = segment softmax of
    # leaky_relu(h_src.a_src + h_dst.a_dst); out[i] = sum_{j->i} alpha_ji * h_j
    h = x @ W
    if alphas is None:
        logits = h[src] @ a_src + h[dst] @ a_dst
        logits = jax.nn.leaky_relu(logits, 0.2)
        alphas = _segment_softmax(logits, dst, num)
    out = jax.ops.segment_sum(h[src] * alphas[:, None], dst, num_segments=num)
    return out, alphas


def reference(features, edge_index, W_enc, att_src, att_dst, W1, centroids):
    src, dst = edge_index[0], edge_index[1]
    n = features.shape[0]
    # encoder: GATConv -> elu -> linear (encoder_1)
    enc, alphas = _gat(features, W_enc, att_src, att_dst, src, dst, n)
    latent = jax.nn.elu(enc) @ W1
    # decoder weights are tied (transposed, detached via .data assignment in torch)
    W_dec0 = jax.lax.stop_gradient(W1).T
    W_dec1 = jax.lax.stop_gradient(W_enc).T
    # decoder GATConv reuses the encoder's attention coefficients (attention=self.encoder_0.attentions)
    dec, _ = _gat(latent, W_dec0, att_src, att_dst, src, dst, n, alphas=alphas)
    gene_recon = jax.nn.elu(dec) @ W_dec1
    # single batch ('0' for all nodes): soft cluster assignment q (Student-t kernel)
    d2 = jnp.sum((latent[:, None, :] - centroids[None, :, :]) ** 2, axis=2)
    q = 1.0 / (1.0 + d2 + 1e-06)
    q = q / jnp.sum(q, axis=1, keepdims=True)
    return latent, gene_recon, q

if __name__ == "__main__":
    import jax
    _d = setup_inputs()
    print(jax.jit(kernel)(*tuple(_d.values())))

</pallas_src>

<mosaic_0001>
#map = affine_map<(d0, d1) -> (0)>
#map1 = affine_map<(d0, d1) -> (0, 0)>
#map2 = affine_map<(d0, d1) -> (0, 0, 0)>
module attributes {stable_mosaic.version = 14 : i64} {
  func.func @_scc_body(%arg0: i32, %arg1: i32, %arg2: memref<163840xi32, #tpu.memory_space<hbm>>, %arg3: memref<163840xi32, #tpu.memory_space<hbm>>, %arg4: memref<163840xf32, #tpu.memory_space<hbm>>, %arg5: memref<10240x32xf32, #tpu.memory_space<hbm>>, %arg6: memref<640x32xf32, #tpu.memory_space<hbm>>, %arg7: memref<2x10240x32xf32, #tpu.memory_space<hbm>>, %arg8: memref<64xi32, #tpu.memory_space<vmem>>, %arg9: memref<64xi32, #tpu.memory_space<vmem>>, %arg10: memref<64xi32, #tpu.memory_space<vmem>>, %arg11: memref<64xi32, #tpu.memory_space<vmem>>, %arg12: memref<64xf32, #tpu.memory_space<vmem>>, %arg13: memref<64xf32, #tpu.memory_space<vmem>>, %arg14: memref<64x32xf32, #tpu.memory_space<vmem>>, %arg15: memref<64x32xf32, #tpu.memory_space<vmem>>, %arg16: memref<!tpu.dma_semaphore, #tpu.memory_space<semaphore_mem>>, %arg17: memref<!tpu.dma_semaphore, #tpu.memory_space<semaphore_mem>>, %arg18: memref<!tpu.dma_semaphore, #tpu.memory_space<semaphore_mem>>, %arg19: memref<!tpu.dma_semaphore, #tpu.memory_space<semaphore_mem>>, %arg20: memref<!tpu.dma_semaphore, #tpu.memory_space<semaphore_mem>>, %arg21: memref<!tpu.dma_semaphore, #tpu.memory_space<semaphore_mem>>, %arg22: memref<10240x32xf32, #tpu.memory_space<vmem_shared>>) attributes {dimension_semantics = [#tpu.dimension_semantics<core_parallel>, #tpu.dimension_semantics<subcore_parallel>], iteration_bounds = array<i64: 2, 16>, scalar_prefetch = 0 : i64, scratch_operands = 15 : i64, tpu.core_type = #tpu.core_type<sc_vector_subcore>, window_params = [{transform_indices = #map}, {transform_indices = #map}, {transform_indices = #map}, {transform_indices = #map1}, {transform_indices = #map1}, {transform_indices = #map2}]} {
    %mul3A = arith.constant 2 : i32
    %mul3A_0 = arith.muli %arg1, %mul3A : i32
    %add3A = arith.addi %mul3A_0, %arg0 : i32
    %mul3A_1 = arith.constant 640 : i32
    %mul3A_2 = arith.muli %arg1, %mul3A_1 : i32
    "tpu.region"() ({
      %run_scoped3A = tpu.sem_alloc : memref<!tpu.dma_semaphore, #tpu.memory_space<semaphore_mem>>
      %dma_start3A = arith.constant 0 : i32
      %dma_start3A_13 = tpu.memref_slice %arg22[%mul3A_2, %dma_start3A] : memref<10240x32xf32, #tpu.memory_space<vmem_shared>> -> memref<640x32xf32, #tpu.memory_space<vmem_shared>>
      tpu.enqueue_dma source(%arg6 : memref<640x32xf32, #tpu.memory_space<hbm>>) target(%dma_start3A_13 : memref<640x32xf32, #tpu.memory_space<vmem_shared>>) target_semaphore(%run_scoped3A : memref<!tpu.dma_semaphore, #tpu.memory_space<semaphore_mem>>)
      %dma_wait3A = arith.constant 0 : i32
      %dma_wait3A_14 = tpu.memref_slice %arg22[%mul3A_2, %dma_wait3A] : memref<10240x32xf32, #tpu.memory_space<vmem_shared>> -> memref<640x32xf32, #tpu.memory_space<vmem_shared>>
      tpu.wait_dma2 semaphore(%run_scoped3A : memref<!tpu.dma_semaphore, #tpu.memory_space<semaphore_mem>>) src(%arg6 : memref<640x32xf32, #tpu.memory_space<hbm>>) dst(%dma_wait3A_14 : memref<640x32xf32, #tpu.memory_space<vmem_shared>>)
      tpu.yield
    }) : () -> ()
    %barrier3A = arith.constant 0 : index
    tpu.barrier barrier_id(%barrier3A)
    %scan3A = arith.constant 0 : i32
    %scan3A_3 = arith.constant 0 : i32
    %scan3A_4 = arith.constant 40 : i32
    %scan3A_5 = arith.addi %scan3A_3, %scan3A_4 : i32
    %scan3A_6 = arith.constant 1 : i32
    scf.for %scan3A_13 = %scan3A_3 to %scan3A_5 step %scan3A_6  : i32 {
      %mul3A_14 = arith.constant 5120 : i32
      %mul3A_15 = arith.muli %add3A, %mul3A_14 : i32
      %mul3A_16 = arith.constant 2 : i32
      %mul3A_17 = arith.muli %mul3A_16, %scan3A_13 : i32
      %mul3A_18 = arith.constant 64 : i32
      %mul3A_19 = arith.muli %mul3A_17, %mul3A_18 : i32
      %add3A_20 = arith.addi %mul3A_15, %mul3A_19 : i32
      %add3A_21 = arith.constant 64 : i32
      %add3A_22 = arith.addi %add3A_20, %add3A_21 : i32
      "tpu.region"() ({
        %run_scoped3A = tpu.sem_alloc : memref<!tpu.dma_semaphore, #tpu.memory_space<semaphore_mem>>
        %dma_start3A_45 = tpu.memref_slice %arg2[%add3A_20] : memref<163840xi32, #tpu.memory_space<hbm>> -> memref<64xi32, #tpu.memory_space<hbm>>
        %dma_start3A_46 = tpu.memref_slice %arg2[%add3A_20] : memref<163840xi32, #tpu.memory_space<hbm>> -> memref<64xi32, #tpu.memory_space<hbm>>
        tpu.enqueue_dma source(%dma_start3A_46 : memref<64xi32, #tpu.memory_space<hbm>>) target(%arg8 : memref<64xi32, #tpu.memory_space<vmem>>) target_semaphore(%run_scoped3A : memref<!tpu.dma_semaphore, #tpu.memory_space<semaphore_mem>>)
        %dma_wait3A_47 = tpu.memref_slice %arg2[%add3A_20] : memref<163840xi32, #tpu.memory_space<hbm>> -> memref<64xi32, #tpu.memory_space<hbm>>
        %dma_wait3A_48 = tpu.memref_slice %arg2[%add3A_20] : memref<163840xi32, #tpu.memory_space<hbm>> -> memref<64xi32, #tpu.memory_space<hbm>>
        tpu.wait_dma2 semaphore(%run_scoped3A : memref<!tpu.dma_semaphore, #tpu.memory_space<semaphore_mem>>) src(%dma_wait3A_48 : memref<64xi32, #tpu.memory_space<hbm>>) dst(%arg8 : memref<64xi32, #tpu.memory_space<vmem>>)
        tpu.yield
      }) : () -> ()
      "tpu.region"() ({
        %run_scoped3A = tpu.sem_alloc : memref<!tpu.dma_semaphore, #tpu.memory_space<semaphore_mem>>
        %dma_start3A_45 = tpu.memref_slice %arg3[%add3A_20] : memref<163840xi32, #tpu.memory_space<hbm>> -> memref<64xi32, #tpu.memory_space<hbm>>
        %dma_start3A_46 = tpu.memref_slice %arg3[%add3A_20] : memref<163840xi32, #tpu.memory_space<hbm>> -> memref<64xi32, #tpu.memory_space<hbm>>
        tpu.enqueue_dma source(%dma_start3A_46 : memref<64xi32, #tpu.memory_space<hbm>>) target(%arg10 : memref<64xi32, #tpu.memory_space<vmem>>) target_semaphore(%run_scoped3A : memref<!tpu.dma_semaphore, #tpu.memory_space<semaphore_mem>>)
        %dma_wait3A_47 = tpu.memref_slice %arg3[%add3A_20] : memref<163840xi32, #tpu.memory_space<hbm>> -> memref<64xi32, #tpu.memory_space<hbm>>
        %dma_wait3A_48 = tpu.memref_slice %arg3[%add3A_20] : memref<163840xi32, #tpu.memory_space<hbm>> -> memref<64xi32, #tpu.memory_space<hbm>>
        tpu.wait_dma2 semaphore(%run_scoped3A : memref<!tpu.dma_semaphore, #tpu.memory_space<semaphore_mem>>) src(%dma_wait3A_48 : memref<64xi32, #tpu.memory_space<hbm>>) dst(%arg10 : memref<64xi32, #tpu.memory_space<vmem>>)
        tpu.yield
      }) : () -> ()
      "tpu.region"() ({
        %run_scoped3A = tpu.sem_alloc : memref<!tpu.dma_semaphore, #tpu.memory_space<semaphore_mem>>
        %dma_start3A_45 = tpu.memref_slice %arg4[%add3A_20] : memref<163840xf32, #tpu.memory_space<hbm>> -> memref<64xf32, #tpu.memory_space<hbm>>
        %dma_start3A_46 = tpu.memref_slice %arg4[%add3A_20] : memref<163840xf32, #tpu.memory_space<hbm>> -> memref<64xf32, #tpu.memory_space<hbm>>
        tpu.enqueue_dma source(%dma_start3A_46 : memref<64xf32, #tpu.memory_space<hbm>>) target(%arg12 : memref<64xf32, #tpu.memory_space<vmem>>) target_semaphore(%run_scoped3A : memref<!tpu.dma_semaphore, #tpu.memory_space<semaphore_mem>>)
        %dma_wait3A_47 = tpu.memref_slice %arg4[%add3A_20] : memref<163840xf32, #tpu.memory_space<hbm>> -> memref<64xf32, #tpu.memory_space<hbm>>
        %dma_wait3A_48 = tpu.memref_slice %arg4[%add3A_20] : memref<163840xf32, #tpu.memory_space<hbm>> -> memref<64xf32, #tpu.memory_space<hbm>>
        tpu.wait_dma2 semaphore(%run_scoped3A : memref<!tpu.dma_semaphore, #tpu.memory_space<semaphore_mem>>) src(%dma_wait3A_48 : memref<64xf32, #tpu.memory_space<hbm>>) dst(%arg12 : memref<64xf32, #tpu.memory_space<vmem>>)
        tpu.yield
      }) : () -> ()
      %dma_start3A = arith.constant 0 : i32
      %dma_start3A_23 = arith.constant 0 : i32
      %dma_start3A_24 = tpu.memref_slice %arg5[%dma_start3A, %dma_start3A_23] : memref<10240x32xf32, #tpu.memory_space<hbm>> -> memref<10240x32xf32, #tpu.memory_space<hbm>>
      tpu.enqueue_indirect_dma source(%dma_start3A_24 : memref<10240x32xf32, #tpu.memory_space<hbm>>) target(%arg14 : memref<64x32xf32, #tpu.memory_space<vmem>>) offsets(%arg8 : memref<64xi32, #tpu.memory_space<vmem>>) semaphore(%arg18 : memref<!tpu.dma_semaphore, #tpu.memory_space<semaphore_mem>>)
      "tpu.region"() ({
        %run_scoped3A = tpu.sem_alloc : memref<!tpu.dma_semaphore, #tpu.memory_space<semaphore_mem>>
        %dma_start3A_45 = tpu.memref_slice %arg2[%add3A_22] : memref<163840xi32, #tpu.memory_space<hbm>> -> memref<64xi32, #tpu.memory_space<hbm>>
        %dma_start3A_46 = tpu.memref_slice %arg2[%add3A_22] : memref<163840xi32, #tpu.memory_space<hbm>> -> memref<64xi32, #tpu.memory_space<hbm>>
        tpu.enqueue_dma source(%dma_start3A_46 : memref<64xi32, #tpu.memory_space<hbm>>) target(%arg9 : memref<64xi32, #tpu.memory_space<vmem>>) target_semaphore(%run_scoped3A : memref<!tpu.dma_semaphore, #tpu.memory_space<semaphore_mem>>)
        %dma_wait3A_47 = tpu.memref_slice %arg2[%add3A_22] : memref<163840xi32, #tpu.memory_space<hbm>> -> memref<64xi32, #tpu.memory_space<hbm>>
        %dma_wait3A_48 = tpu.memref_slice %arg2[%add3A_22] : memref<163840xi32, #tpu.memory_space<hbm>> -> memref<64xi32, #tpu.memory_space<hbm>>
        tpu.wait_dma2 semaphore(%run_scoped3A : memref<!tpu.dma_semaphore, #tpu.memory_space<semaphore_mem>>) src(%dma_wait3A_48 : memref<64xi32, #tpu.memory_space<hbm>>) dst(%arg9 : memref<64xi32, #tpu.memory_space<vmem>>)
        tpu.yield
      }) : () -> ()
      "tpu.region"() ({
        %run_scoped3A = tpu.sem_alloc : memref<!tpu.dma_semaphore, #tpu.memory_space<semaphore_mem>>
        %dma_start3A_45 = tpu.memref_slice %arg3[%add3A_22] : memref<163840xi32, #tpu.memory_space<hbm>> -> memref<64xi32, #tpu.memory_space<hbm>>
        %dma_start3A_46 = tpu.memref_slice %arg3[%add3A_22] : memref<163840xi32, #tpu.memory_space<hbm>> -> memref<64xi32, #tpu.memory_space<hbm>>
        tpu.enqueue_dma source(%dma_start3A_46 : memref<64xi32, #tpu.memory_space<hbm>>) target(%arg11 : memref<64xi32, #tpu.memory_space<vmem>>) target_semaphore(%run_scoped3A : memref<!tpu.dma_semaphore, #tpu.memory_space<semaphore_mem>>)
        %dma_wait3A_47 = tpu.memref_slice %arg3[%add3A_22] : memref<163840xi32, #tpu.memory_space<hbm>> -> memref<64xi32, #tpu.memory_space<hbm>>
        %dma_wait3A_48 = tpu.memref_slice %arg3[%add3A_22] : memref<163840xi32, #tpu.memory_space<hbm>> -> memref<64xi32, #tpu.memory_space<hbm>>
        tpu.wait_dma2 semaphore(%run_scoped3A : memref<!tpu.dma_semaphore, #tpu.memory_space<semaphore_mem>>) src(%dma_wait3A_48 : memref<64xi32, #tpu.memory_space<hbm>>) dst(%arg11 : memref<64xi32, #tpu.memory_space<vmem>>)
        tpu.yield
      }) : () -> ()
      "tpu.region"() ({
        %run_scoped3A = tpu.sem_alloc : memref<!tpu.dma_semaphore, #tpu.memory_space<semaphore_mem>>
        %dma_start3A_45 = tpu.memref_slice %arg4[%add3A_22] : memref<163840xf32, #tpu.memory_space<hbm>> -> memref<64xf32, #tpu.memory_space<hbm>>
        %dma_start3A_46 = tpu.memref_slice %arg4[%add3A_22] : memref<163840xf32, #tpu.memory_space<hbm>> -> memref<64xf32, #tpu.memory_space<hbm>>
        tpu.enqueue_dma source(%dma_start3A_46 : memref<64xf32, #tpu.memory_space<hbm>>) target(%arg13 : memref<64xf32, #tpu.memory_space<vmem>>) target_semaphore(%run_scoped3A : memref<!tpu.dma_semaphore, #tpu.memory_space<semaphore_mem>>)
        %dma_wait3A_47 = tpu.memref_slice %arg4[%add3A_22] : memref<163840xf32, #tpu.memory_space<hbm>> -> memref<64xf32, #tpu.memory_space<hbm>>
        %dma_wait3A_48 = tpu.memref_slice %arg4[%add3A_22] : memref<163840xf32, #tpu.memory_space<hbm>> -> memref<64xf32, #tpu.memory_space<hbm>>
        tpu.wait_dma2 semaphore(%run_scoped3A : memref<!tpu.dma_semaphore, #tpu.memory_space<semaphore_mem>>) src(%dma_wait3A_48 : memref<64xf32, #tpu.memory_space<hbm>>) dst(%arg13 : memref<64xf32, #tpu.memory_space<vmem>>)
        tpu.yield
      }) : () -> ()
      %dma_start3A_25 = arith.constant 0 : i32
      %dma_start3A_26 = arith.constant 0 : i32
      %dma_start3A_27 = tpu.memref_slice %arg5[%dma_start3A_25, %dma_start3A_26] : memref<10240x32xf32, #tpu.memory_space<hbm>> -> memref<10240x32xf32, #tpu.memory_space<hbm>>
      tpu.enqueue_indirect_dma source(%dma_start3A_27 : memref<10240x32xf32, #tpu.memory_space<hbm>>) target(%arg15 : memref<64x32xf32, #tpu.memory_space<vmem>>) offsets(%arg9 : memref<64xi32, #tpu.memory_space<vmem>>) semaphore(%arg19 : memref<!tpu.dma_semaphore, #tpu.memory_space<semaphore_mem>>)
      %dma_wait3A = arith.constant 0 : i32
      %dma_wait3A_28 = arith.constant 0 : i32
      %dma_wait3A_29 = tpu.memref_slice %arg5[%dma_wait3A, %dma_wait3A_28] : memref<10240x32xf32, #tpu.memory_space<hbm>> -> memref<10240x32xf32, #tpu.memory_space<hbm>>
      tpu.wait_indirect_dma semaphore(%arg18 : memref<!tpu.dma_semaphore, #tpu.memory_space<semaphore_mem>>) src(%dma_wait3A_29 : memref<10240x32xf32, #tpu.memory_space<hbm>>) dst(%arg14 : memref<64x32xf32, #tpu.memory_space<vmem>>)
      %scan3A_30 = arith.constant 0 : i32
      %scan3A_31 = arith.constant 0 : i32
      %scan3A_32 = arith.constant 64 : i32
      %scan3A_33 = arith.addi %scan3A_31, %scan3A_32 : i32
      %scan3A_34 = arith.constant 4 : i32
      scf.for %scan3A_45 = %scan3A_31 to %scan3A_33 step %scan3A_34  : i32 {
        %broadcast_in_dim3A = arith.constant 0 : i32
        %broadcast_in_dim3A_46 = vector.broadcast %broadcast_in_dim3A : i32 to vector<16xi32>
        %add3A_47 = vector.broadcast %scan3A_45 : i32 to vector<16xi32>
        %add3A_48 = arith.addi %broadcast_in_dim3A_46, %add3A_47 : vector<16xi32>
        %gather3A = tpu.vector_load_idx %arg12[%add3A_48] : memref<64xf32, #tpu.memory_space<vmem>>[vector<16xi32>], vector<16xf32>,
        %get3A = arith.index_cast %scan3A_45 : i32 to index
        %get3A_49 = arith.constant 0 : index
        %get3A_50 = tpu.vector_load %arg14[%get3A, %get3A_49] {strides = array<i32>} : memref<64x32xf32, #tpu.memory_space<vmem>>, vector<16xf32>,
        %mul3A_51 = arith.mulf %get3A_50, %gather3A : vector<16xf32>
        %swap3A = arith.index_cast %scan3A_45 : i32 to index
        %swap3A_52 = arith.constant 0 : index
        %swap3A_53 = tpu.vector_load %arg14[%swap3A, %swap3A_52] {strides = array<i32>} : memref<64x32xf32, #tpu.memory_space<vmem>>, vector<16xf32>,
        tpu.vector_store %arg14[%swap3A, %swap3A_52], %mul3A_51 {strides = array<i32>} : memref<64x32xf32, #tpu.memory_space<vmem>>, vector<16xf32>,
        %get3A_54 = arith.index_cast %scan3A_45 : i32 to index
        %get3A_55 = arith.constant 16 : index
        %get3A_56 = tpu.vector_load %arg14[%get3A_54, %get3A_55] {strides = array<i32>} : memref<64x32xf32, #tpu.memory_space<vmem>>, vector<16xf32>,
        %mul3A_57 = arith.mulf %get3A_56, %gather3A : vector<16xf32>
        %swap3A_58 = arith.index_cast %scan3A_45 : i32 to index
        %swap3A_59 = arith.constant 16 : index
        %swap3A_60 = tpu.vector_load %arg14[%swap3A_58, %swap3A_59] {strides = array<i32>} : memref<64x32xf32, #tpu.memory_space<vmem>>, vector<16xf32>,
        tpu.vector_store %arg14[%swap3A_58, %swap3A_59], %mul3A_57 {strides = array<i32>} : memref<64x32xf32, #tpu.memory_space<vmem>>, vector<16xf32>,
        %scan3A_61 = arith.constant 1 : i32
        %scan3A_62 = arith.addi %scan3A_45, %scan3A_61 : i32
        %broadcast_in_dim3A_63 = arith.constant 0 : i32
        %broadcast_in_dim3A_64 = vector.broadcast %broadcast_in_dim3A_63 : i32 to vector<16xi32>
        %add3A_65 = vector.broadcast %scan3A_62 : i32 to vector<16xi32>
        %add3A_66 = arith.addi %broadcast_in_dim3A_64, %add3A_65 : vector<16xi32>
        %gather3A_67 = tpu.vector_load_idx %arg12[%add3A_66] : memref<64xf32, #tpu.memory_space<vmem>>[vector<16xi32>], vector<16xf32>,
        %get3A_68 = arith.index_cast %scan3A_62 : i32 to index
        %get3A_69 = arith.constant 0 : index
        %get3A_70 = tpu.vector_load %arg14[%get3A_68, %get3A_69] {strides = array<i32>} : memref<64x32xf32, #tpu.memory_space<vmem>>, vector<16xf32>,
        %mul3A_71 = arith.mulf %get3A_70, %gather3A_67 : vector<16xf32>
        %swap3A_72 = arith.index_cast %scan3A_62 : i32 to index
        %swap3A_73 = arith.constant 0 : index
        %swap3A_74 = tpu.vector_load %arg14[%swap3A_72, %swap3A_73] {strides = array<i32>} : memref<64x32xf32, #tpu.memory_space<vmem>>, vector<16xf32>,
        tpu.vector_store %arg14[%swap3A_72, %swap3A_73], %mul3A_71 {strides = array<i32>} : memref<64x32xf32, #tpu.memory_space<vmem>>, vector<16xf32>,
        %get3A_75 = arith.index_cast %scan3A_62 : i32 to index
        %get3A_76 = arith.constant 16 : index
        %get3A_77 = tpu.vector_load %arg14[%get3A_75, %get3A_76] {strides = array<i32>} : memref<64x32xf32, #tpu.memory_space<vmem>>, vector<16xf32>,
        %mul3A_78 = arith.mulf %get3A_77, %gather3A_67 : vector<16xf32>
        %swap3A_79 = arith.index_cast %scan3A_62 : i32 to index
        %swap3A_80 = arith.constant 16 : index
        %swap3A_81 = tpu.vector_load %arg14[%swap3A_79, %swap3A_80] {strides = array<i32>} : memref<64x32xf32, #tpu.memory_space<vmem>>, vector<16xf32>,
        tpu.vector_store %arg14[%swap3A_79, %swap3A_80], %mul3A_78 {strides = array<i32>} : memref<64x32xf32, #tpu.memory_space<vmem>>, vector<16xf32>,
        %scan3A_82 = arith.constant 2 : i32
        %scan3A_83 = arith.addi %scan3A_45, %scan3A_82 : i32
        %broadcast_in_dim3A_84 = arith.constant 0 : i32
        %broadcast_in_dim3A_85 = vector.broadcast %broadcast_in_dim3A_84 : i32 to vector<16xi32>
        %add3A_86 = vector.broadcast %scan3A_83 : i32 to vector<16xi32>
        %add3A_87 = arith.addi %broadcast_in_dim3A_85, %add3A_86 : vector<16xi32>
        %gather3A_88 = tpu.vector_load_idx %arg12[%add3A_87] : memref<64xf32, #tpu.memory_space<vmem>>[vector<16xi32>], vector<16xf32>,
        %get3A_89 = arith.index_cast %scan3A_83 : i32 to index
        %get3A_90 = arith.constant 0 : index
        %get3A_91 = tpu.vector_load %arg14[%get3A_89, %get3A_90] {strides = array<i32>} : memref<64x32xf32, #tpu.memory_space<vmem>>, vector<16xf32>,
        %mul3A_92 = arith.mulf %get3A_91, %gather3A_88 : vector<16xf32>
        %swap3A_93 = arith.index_cast %scan3A_83 : i32 to index
        %swap3A_94 = arith.constant 0 : index
        %swap3A_95 = tpu.vector_load %arg14[%swap3A_93, %swap3A_94] {strides = array<i32>} : memref<64x32xf32, #tpu.memory_space<vmem>>, vector<16xf32>,
        tpu.vector_store %arg14[%swap3A_93, %swap3A_94], %mul3A_92 {strides = array<i32>} : memref<64x32xf32, #tpu.memory_space<vmem>>, vector<16xf32>,
        %get3A_96 = arith.index_cast %scan3A_83 : i32 to index
        %get3A_97 = arith.constant 16 : index
        %get3A_98 = tpu.vector_load %arg14[%get3A_96, %get3A_97] {strides = array<i32>} : memref<64x32xf32, #tpu.memory_space<vmem>>, vector<16xf32>,
        %mul3A_99 = arith.mulf %get3A_98, %gather3A_88 : vector<16xf32>
        %swap3A_100 = arith.index_cast %scan3A_83 : i32 to index
        %swap3A_101 = arith.constant 16 : index
        %swap3A_102 = tpu.vector_load %arg14[%swap3A_100, %swap3A_101] {strides = array<i32>} : memref<64x32xf32, #tpu.memory_space<vmem>>, vector<16xf32>,
        tpu.vector_store %arg14[%swap3A_100, %swap3A_101], %mul3A_99 {strides = array<i32>} : memref<64x32xf32, #tpu.memory_space<vmem>>, vector<16xf32>,
        %scan3A_103 = arith.constant 3 : i32
        %scan3A_104 = arith.addi %scan3A_45, %scan3A_103 : i32
        %broadcast_in_dim3A_105 = arith.constant 0 : i32
        %broadcast_in_dim3A_106 = vector.broadcast %broadcast_in_dim3A_105 : i32 to vector<16xi32>
        %add3A_107 = vector.broadcast %scan3A_104 : i32 to vector<16xi32>
        %add3A_108 = arith.addi %broadcast_in_dim3A_106, %add3A_107 : vector<16xi32>
        %gather3A_109 = tpu.vector_load_idx %arg12[%add3A_108] : memref<64xf32, #tpu.memory_space<vmem>>[vector<16xi32>], vector<16xf32>,
        %get3A_110 = arith.index_cast %scan3A_104 : i32 to index
        %get3A_111 = arith.constant 0 : index
        %get3A_112 = tpu.vector_load %arg14[%get3A_110, %get3A_111] {strides = array<i32>} : memref<64x32xf32, #tpu.memory_space<vmem>>, vector<16xf32>,
        %mul3A_113 = arith.mulf %get3A_112, %gather3A_109 : vector<16xf32>
        %swap3A_114 = arith.index_cast %scan3A_104 : i32 to index
        %swap3A_115 = arith.constant 0 : index
        %swap3A_116 = tpu.vector_load %arg14[%swap3A_114, %swap3A_115] {strides = array<i32>} : memref<64x32xf32, #tpu.memory_space<vmem>>, vector<16xf32>,
        tpu.vector_store %arg14[%swap3A_114, %swap3A_115], %mul3A_113 {strides = array<i32>} : memref<64x32xf32, #tpu.memory_space<vmem>>, vector<16xf32>,
        %get3A_117 = arith.index_cast %scan3A_104 : i32 to index
        %get3A_118 = arith.constant 16 : index
        %get3A_119 = tpu.vector_load %arg14[%get3A_117, %get3A_118] {strides = array<i32>} : memref<64x32xf32, #tpu.memory_space<vmem>>, vector<16xf32>,
        %mul3A_120 = arith.mulf %get3A_119, %gather3A_109 : vector<16xf32>
        %swap3A_121 = arith.index_cast %scan3A_104 : i32 to index
        %swap3A_122 = arith.constant 16 : index
        %swap3A_123 = tpu.vector_load %arg14[%swap3A_121, %swap3A_122] {strides = array<i32>} : memref<64x32xf32, #tpu.memory_space<vmem>>, vector<16xf32>,
        tpu.vector_store %arg14[%swap3A_121, %swap3A_122], %mul3A_120 {strides = array<i32>} : memref<64x32xf32, #tpu.memory_space<vmem>>, vector<16xf32>,
      }
      %scan3A_35 = arith.constant 64 : i32
      "tpu.region"() ({
        %run_scoped3A = tpu.sem_alloc : memref<!tpu.dma_semaphore, #tpu.memory_space<semaphore_mem>>
        %dma_start3A_45 = arith.constant 0 : i32
        %dma_start3A_46 = arith.constant 0 : i32
        %dma_start3A_47 = tpu.memref_slice %arg22[%dma_start3A_45, %dma_start3A_46] : memref<10240x32xf32, #tpu.memory_space<vmem_shared>> -> memref<10240x32xf32, #tpu.memory_space<vmem_shared>>
        tpu.enqueue_indirect_dma source(%arg14 : memref<64x32xf32, #tpu.memory_space<vmem>>) target(%dma_start3A_47 : memref<10240x32xf32, #tpu.memory_space<vmem_shared>>) offsets(%arg10 : memref<64xi32, #tpu.memory_space<vmem>>) semaphore(%run_scoped3A : memref<!tpu.dma_semaphore, #tpu.memory_space<semaphore_mem>>) {add = true}
        %dma_wait3A_48 = arith.constant 0 : i32
        %dma_wait3A_49 = arith.constant 0 : i32
        %dma_wait3A_50 = tpu.memref_slice %arg22[%dma_wait3A_48, %dma_wait3A_49] : memref<10240x32xf32, #tpu.memory_space<vmem_shared>> -> memref<10240x32xf32, #tpu.memory_space<vmem_shared>>
        tpu.wait_indirect_dma semaphore(%run_scoped3A : memref<!tpu.dma_semaphore, #tpu.memory_space<semaphore_mem>>) src(%arg14 : memref<64x32xf32, #tpu.memory_space<vmem>>) dst(%dma_wait3A_50 : memref<10240x32xf32, #tpu.memory_space<vmem_shared>>)
        tpu.yield
      }) : () -> ()
      %dma_wait3A_36 = arith.constant 0 : i32
      %dma_wait3A_37 = arith.constant 0 : i32
      %dma_wait3A_38 = tpu.memref_slice %arg5[%dma_wait3A_36, %dma_wait3A_37] : memref<10240x32xf32, #tpu.memory_space<hbm>> -> memref<10240x32xf32, #tpu.memory_space<hbm>>
      tpu.wait_indirect_dma semaphore(%arg19 : memref<!tpu.dma_semaphore, #tpu.memory_space<semaphore_mem>>) src(%dma_wait3A_38 : memref<10240x32xf32, #tpu.memory_space<hbm>>) dst(%arg15 : memref<64x32xf32, #tpu.memory_space<vmem>>)
      %scan3A_39 = arith.constant 0 : i32
      %scan3A_40 = arith.constant 0 : i32
      %scan3A_41 = arith.constant 64 : i32
      %scan3A_42 = arith.addi %scan3A_40, %scan3A_41 : i32
      %scan3A_43 = arith.constant 4 : i32
      scf.for %scan3A_45 = %scan3A_40 to %scan3A_42 step %scan3A_43  : i32 {
        %broadcast_in_dim3A = arith.constant 0 : i32
        %broadcast_in_dim3A_46 = vector.broadcast %broadcast_in_dim3A : i32 to vector<16xi32>
        %add3A_47 = vector.broadcast %scan3A_45 : i32 to vector<16xi32>
        %add3A_48 = arith.addi %broadcast_in_dim3A_46, %add3A_47 : vector<16xi32>
        %gather3A = tpu.vector_load_idx %arg13[%add3A_48] : memref<64xf32, #tpu.memory_space<vmem>>[vector<16xi32>], vector<16xf32>,
        %get3A = arith.index_cast %scan3A_45 : i32 to index
        %get3A_49 = arith.constant 0 : index
        %get3A_50 = tpu.vector_load %arg15[%get3A, %get3A_49] {strides = array<i32>} : memref<64x32xf32, #tpu.memory_space<vmem>>, vector<16xf32>,
        %mul3A_51 = arith.mulf %get3A_50, %gather3A : vector<16xf32>
        %swap3A = arith.index_cast %scan3A_45 : i32 to index
        %swap3A_52 = arith.constant 0 : index
        %swap3A_53 = tpu.vector_load %arg15[%swap3A, %swap3A_52] {strides = array<i32>} : memref<64x32xf32, #tpu.memory_space<vmem>>, vector<16xf32>,
        tpu.vector_store %arg15[%swap3A, %swap3A_52], %mul3A_51 {strides = array<i32>} : memref<64x32xf32, #tpu.memory_space<vmem>>, vector<16xf32>,
        %get3A_54 = arith.index_cast %scan3A_45 : i32 to index
        %get3A_55 = arith.constant 16 : index
        %get3A_56 = tpu.vector_load %arg15[%get3A_54, %get3A_55] {strides = array<i32>} : memref<64x32xf32, #tpu.memory_space<vmem>>, vector<16xf32>,
        %mul3A_57 = arith.mulf %get3A_56, %gather3A : vector<16xf32>
        %swap3A_58 = arith.index_cast %scan3A_45 : i32 to index
        %swap3A_59 = arith.constant 16 : index
        %swap3A_60 = tpu.vector_load %arg15[%swap3A_58, %swap3A_59] {strides = array<i32>} : memref<64x32xf32, #tpu.memory_space<vmem>>, vector<16xf32>,
        tpu.vector_store %arg15[%swap3A_58, %swap3A_59], %mul3A_57 {strides = array<i32>} : memref<64x32xf32, #tpu.memory_space<vmem>>, vector<16xf32>,
        %scan3A_61 = arith.constant 1 : i32
        %scan3A_62 = arith.addi %scan3A_45, %scan3A_61 : i32
        %broadcast_in_dim3A_63 = arith.constant 0 : i32
        %broadcast_in_dim3A_64 = vector.broadcast %broadcast_in_dim3A_63 : i32 to vector<16xi32>
        %add3A_65 = vector.broadcast %scan3A_62 : i32 to vector<16xi32>
        %add3A_66 = arith.addi %broadcast_in_dim3A_64, %add3A_65 : vector<16xi32>
        %gather3A_67 = tpu.vector_load_idx %arg13[%add3A_66] : memref<64xf32, #tpu.memory_space<vmem>>[vector<16xi32>], vector<16xf32>,
        %get3A_68 = arith.index_cast %scan3A_62 : i32 to index
        %get3A_69 = arith.constant 0 : index
        %get3A_70 = tpu.vector_load %arg15[%get3A_68, %get3A_69] {strides = array<i32>} : memref<64x32xf32, #tpu.memory_space<vmem>>, vector<16xf32>,
        %mul3A_71 = arith.mulf %get3A_70, %gather3A_67 : vector<16xf32>
        %swap3A_72 = arith.index_cast %scan3A_62 : i32 to index
        %swap3A_73 = arith.constant 0 : index
        %swap3A_74 = tpu.vector_load %arg15[%swap3A_72, %swap3A_73] {strides = array<i32>} : memref<64x32xf32, #tpu.memory_space<vmem>>, vector<16xf32>,
        tpu.vector_store %arg15[%swap3A_72, %swap3A_73], %mul3A_71 {strides = array<i32>} : memref<64x32xf32, #tpu.memory_space<vmem>>, vector<16xf32>,
        %get3A_75 = arith.index_cast %scan3A_62 : i32 to index
        %get3A_76 = arith.constant 16 : index
        %get3A_77 = tpu.vector_load %arg15[%get3A_75, %get3A_76] {strides = array<i32>} : memref<64x32xf32, #tpu.memory_space<vmem>>, vector<16xf32>,
        %mul3A_78 = arith.mulf %get3A_77, %gather3A_67 : vector<16xf32>
        %swap3A_79 = arith.index_cast %scan3A_62 : i32 to index
        %swap3A_80 = arith.constant 16 : index
        %swap3A_81 = tpu.vector_load %arg15[%swap3A_79, %swap3A_80] {strides = array<i32>} : memref<64x32xf32, #tpu.memory_space<vmem>>, vector<16xf32>,
        tpu.vector_store %arg15[%swap3A_79, %swap3A_80], %mul3A_78 {strides = array<i32>} : memref<64x32xf32, #tpu.memory_space<vmem>>, vector<16xf32>,
        %scan3A_82 = arith.constant 2 : i32
        %scan3A_83 = arith.addi %scan3A_45, %scan3A_82 : i32
        %broadcast_in_dim3A_84 = arith.constant 0 : i32
        %broadcast_in_dim3A_85 = vector.broadcast %broadcast_in_dim3A_84 : i32 to vector<16xi32>
        %add3A_86 = vector.broadcast %scan3A_83 : i32 to vector<16xi32>
        %add3A_87 = arith.addi %broadcast_in_dim3A_85, %add3A_86 : vector<16xi32>
        %gather3A_88 = tpu.vector_load_idx %arg13[%add3A_87] : memref<64xf32, #tpu.memory_space<vmem>>[vector<16xi32>], vector<16xf32>,
        %get3A_89 = arith.index_cast %scan3A_83 : i32 to index
        %get3A_90 = arith.constant 0 : index
        %get3A_91 = tpu.vector_load %arg15[%get3A_89, %get3A_90] {strides = array<i32>} : memref<64x32xf32, #tpu.memory_space<vmem>>, vector<16xf32>,
        %mul3A_92 = arith.mulf %get3A_91, %gather3A_88 : vector<16xf32>
        %swap3A_93 = arith.index_cast %scan3A_83 : i32 to index
        %swap3A_94 = arith.constant 0 : index
        %swap3A_95 = tpu.vector_load %arg15[%swap3A_93, %swap3A_94] {strides = array<i32>} : memref<64x32xf32, #tpu.memory_space<vmem>>, vector<16xf32>,
        tpu.vector_store %arg15[%swap3A_93, %swap3A_94], %mul3A_92 {strides = array<i32>} : memref<64x32xf32, #tpu.memory_space<vmem>>, vector<16xf32>,
        %get3A_96 = arith.index_cast %scan3A_83 : i32 to index
        %get3A_97 = arith.constant 16 : index
        %get3A_98 = tpu.vector_load %arg15[%get3A_96, %get3A_97] {strides = array<i32>} : memref<64x32xf32, #tpu.memory_space<vmem>>, vector<16xf32>,
        %mul3A_99 = arith.mulf %get3A_98, %gather3A_88 : vector<16xf32>
        %swap3A_100 = arith.index_cast %scan3A_83 : i32 to index
        %swap3A_101 = arith.constant 16 : index
        %swap3A_102 = tpu.vector_load %arg15[%swap3A_100, %swap3A_101] {strides = array<i32>} : memref<64x32xf32, #tpu.memory_space<vmem>>, vector<16xf32>,
        tpu.vector_store %arg15[%swap3A_100, %swap3A_101], %mul3A_99 {strides = array<i32>} : memref<64x32xf32, #tpu.memory_space<vmem>>, vector<16xf32>,
        %scan3A_103 = arith.constant 3 : i32
        %scan3A_104 = arith.addi %scan3A_45, %scan3A_103 : i32
        %broadcast_in_dim3A_105 = arith.constant 0 : i32
        %broadcast_in_dim3A_106 = vector.broadcast %broadcast_in_dim3A_105 : i32 to vector<16xi32>
        %add3A_107 = vector.broadcast %scan3A_104 : i32 to vector<16xi32>
        %add3A_108 = arith.addi %broadcast_in_dim3A_106, %add3A_107 : vector<16xi32>
        %gather3A_109 = tpu.vector_load_idx %arg13[%add3A_108] : memref<64xf32, #tpu.memory_space<vmem>>[vector<16xi32>], vector<16xf32>,
        %get3A_110 = arith.index_cast %scan3A_104 : i32 to index
        %get3A_111 = arith.constant 0 : index
        %get3A_112 = tpu.vector_load %arg15[%get3A_110, %get3A_111] {strides = array<i32>} : memref<64x32xf32, #tpu.memory_space<vmem>>, vector<16xf32>,
        %mul3A_113 = arith.mulf %get3A_112, %gather3A_109 : vector<16xf32>
        %swap3A_114 = arith.index_cast %scan3A_104 : i32 to index
        %swap3A_115 = arith.constant 0 : index
        %swap3A_116 = tpu.vector_load %arg15[%swap3A_114, %swap3A_115] {strides = array<i32>} : memref<64x32xf32, #tpu.memory_space<vmem>>, vector<16xf32>,
        tpu.vector_store %arg15[%swap3A_114, %swap3A_115], %mul3A_113 {strides = array<i32>} : memref<64x32xf32, #tpu.memory_space<vmem>>, vector<16xf32>,
        %get3A_117 = arith.index_cast %scan3A_104 : i32 to index
        %get3A_118 = arith.constant 16 : index
        %get3A_119 = tpu.vector_load %arg15[%get3A_117, %get3A_118] {strides = array<i32>} : memref<64x32xf32, #tpu.memory_space<vmem>>, vector<16xf32>,
        %mul3A_120 = arith.mulf %get3A_119, %gather3A_109 : vector<16xf32>
        %swap3A_121 = arith.index_cast %scan3A_104 : i32 to index
        %swap3A_122 = arith.constant 16 : index
        %swap3A_123 = tpu.vector_load %arg15[%swap3A_121, %swap3A_122] {strides = array<i32>} : memref<64x32xf32, #tpu.memory_space<vmem>>, vector<16xf32>,
        tpu.vector_store %arg15[%swap3A_121, %swap3A_122], %mul3A_120 {strides = array<i32>} : memref<64x32xf32, #tpu.memory_space<vmem>>, vector<16xf32>,
      }
      %scan3A_44 = arith.constant 64 : i32
      "tpu.region"() ({
        %run_scoped3A = tpu.sem_alloc : memref<!tpu.dma_semaphore, #tpu.memory_space<semaphore_mem>>
        %dma_start3A_45 = arith.constant 0 : i32
        %dma_start3A_46 = arith.constant 0 : i32
        %dma_start3A_47 = tpu.memref_slice %arg22[%dma_start3A_45, %dma_start3A_46] : memref<10240x32xf32, #tpu.memory_space<vmem_shared>> -> memref<10240x32xf32, #tpu.memory_space<vmem_shared>>
        tpu.enqueue_indirect_dma source(%arg15 : memref<64x32xf32, #tpu.memory_space<vmem>>) target(%dma_start3A_47 : memref<10240x32xf32, #tpu.memory_space<vmem_shared>>) offsets(%arg11 : memref<64xi32, #tpu.memory_space<vmem>>) semaphore(%run_scoped3A : memref<!tpu.dma_semaphore, #tpu.memory_space<semaphore_mem>>) {add = true}
        %dma_wait3A_48 = arith.constant 0 : i32
        %dma_wait3A_49 = arith.constant 0 : i32
        %dma_wait3A_50 = tpu.memref_slice %arg22[%dma_wait3A_48, %dma_wait3A_49] : memref<10240x32xf32, #tpu.memory_space<vmem_shared>> -> memref<10240x32xf32, #tpu.memory_space<vmem_shared>>
        tpu.wait_indirect_dma semaphore(%run_scoped3A : memref<!tpu.dma_semaphore, #tpu.memory_space<semaphore_mem>>) src(%arg15 : memref<64x32xf32, #tpu.memory_space<vmem>>) dst(%dma_wait3A_50 : memref<10240x32xf32, #tpu.memory_space<vmem_shared>>)
        tpu.yield
      }) : () -> ()
    }
    %scan3A_7 = arith.constant 40 : i32
    %barrier3A_8 = arith.constant 0 : index
    tpu.barrier barrier_id(%barrier3A_8)
    %mul3A_9 = arith.constant 640 : i32
    %mul3A_10 = arith.muli %arg1, %mul3A_9 : i32
    %mul3A_11 = arith.constant 640 : i32
    %mul3A_12 = arith.muli %arg1, %mul3A_11 : i32
    "tpu.region"() ({
      %run_scoped3A = tpu.sem_alloc : memref<!tpu.dma_semaphore, #tpu.memory_space<semaphore_mem>>
      %dma_start3A = arith.constant 0 : i32
      %dma_start3A_13 = tpu.memref_slice %arg7[%arg0, %mul3A_12, %dma_start3A] : memref<2x10240x32xf32, #tpu.memory_space<hbm>> -> memref<1x640x32xf32, #tpu.memory_space<hbm>>
      %dma_start3A_14 = tpu.memref_squeeze %dma_start3A_13 : memref<1x640x32xf32, #tpu.memory_space<hbm>> -> memref<640x32xf32, #tpu.memory_space<hbm>>
      %dma_start3A_15 = arith.constant 0 : i32
      %dma_start3A_16 = tpu.memref_slice %arg22[%mul3A_10, %dma_start3A_15] : memref<10240x32xf32, #tpu.memory_space<vmem_shared>> -> memref<640x32xf32, #tpu.memory_space<vmem_shared>>
      tpu.enqueue_dma source(%dma_start3A_16 : memref<640x32xf32, #tpu.memory_space<vmem_shared>>) target(%dma_start3A_14 : memref<640x32xf32, #tpu.memory_space<hbm>>) target_semaphore(%run_scoped3A : memref<!tpu.dma_semaphore, #tpu.memory_space<semaphore_mem>>)
      %dma_wait3A = arith.constant 0 : i32
      %dma_wait3A_17 = tpu.memref_slice %arg7[%arg0, %mul3A_12, %dma_wait3A] : memref<2x10240x32xf32, #tpu.memory_space<hbm>> -> memref<1x640x32xf32, #tpu.memory_space<hbm>>
      %dma_wait3A_18 = tpu.memref_squeeze %dma_wait3A_17 : memref<1x640x32xf32, #tpu.memory_space<hbm>> -> memref<640x32xf32, #tpu.memory_space<hbm>>
      %dma_wait3A_19 = arith.constant 0 : i32
      %dma_wait3A_20 = tpu.memref_slice %arg22[%mul3A_10, %dma_wait3A_19] : memref<10240x32xf32, #tpu.memory_space<vmem_shared>> -> memref<640x32xf32, #tpu.memory_space<vmem_shared>>
      tpu.wait_dma2 semaphore(%run_scoped3A : memref<!tpu.dma_semaphore, #tpu.memory_space<semaphore_mem>>) src(%dma_wait3A_20 : memref<640x32xf32, #tpu.memory_space<vmem_shared>>) dst(%dma_wait3A_18 : memref<640x32xf32, #tpu.memory_space<hbm>>)
      tpu.yield
    }) : () -> ()
    return
  }
}

#map = affine_map<(d0, d1) -> (0)>
#map1 = affine_map<(d0, d1) -> (0, 0)>
#map2 = affine_map<(d0, d1) -> (0, 0, 0)>
module attributes {stable_mosaic.version = 14 : i64} {
  func.func @_scb_body(%arg0: i32, %arg1: i32, %arg2: memref<163840xi32, #tpu.memory_space<hbm>>, %arg3: memref<163840xi32, #tpu.memory_space<hbm>>, %arg4: memref<10000xf32, #tpu.memory_space<hbm>>, %arg5: memref<10000xf32, #tpu.memory_space<hbm>>, %arg6: memref<640xf32, #tpu.memory_space<hbm>>, %arg7: memref<640x128xf32, #tpu.memory_space<hbm>>, %arg8: memref<10000x128xf32, #tpu.memory_space<hbm>>, %arg9: memref<163840xf32, #tpu.memory_space<hbm>>, %arg10: memref<2x10240xf32, #tpu.memory_space<hbm>>, %arg11: memref<2x10240x128xf32, #tpu.memory_space<hbm>>, %arg12: memref<10000xf32, #tpu.memory_space<vmem>>, %arg13: memref<10000xf32, #tpu.memory_space<vmem>>, %arg14: memref<64xi32, #tpu.memory_space<vmem>>, %arg15: memref<64xi32, #tpu.memory_space<vmem>>, %arg16: memref<64xi32, #tpu.memory_space<vmem>>, %arg17: memref<64xi32, #tpu.memory_space<vmem>>, %arg18: memref<64xf32, #tpu.memory_space<vmem>>, %arg19: memref<64xf32, #tpu.memory_space<vmem>>, %arg20: memref<64x128xf32, #tpu.memory_space<vmem>>, %arg21: memref<64x128xf32, #tpu.memory_space<vmem>>, %arg22: memref<!tpu.dma_semaphore, #tpu.memory_space<semaphore_mem>>, %arg23: memref<!tpu.dma_semaphore, #tpu.memory_space<semaphore_mem>>, %arg24: memref<!tpu.dma_semaphore, #tpu.memory_space<semaphore_mem>>, %arg25: memref<!tpu.dma_semaphore, #tpu.memory_space<semaphore_mem>>, %arg26: memref<!tpu.dma_semaphore, #tpu.memory_space<semaphore_mem>>, %arg27: memref<!tpu.dma_semaphore, #tpu.memory_space<semaphore_mem>>, %arg28: memref<10240xf32, #tpu.memory_space<vmem_shared>>, %arg29: memref<10240x128xf32, #tpu.memory_space<vmem_shared>>) attributes {dimension_semantics = [#tpu.dimension_semantics<core_parallel>, #tpu.dimension_semantics<subcore_parallel>], iteration_bounds = array<i64: 2, 16>, scalar_prefetch = 0 : i64, scratch_operands = 18 : i64, tpu.core_type = #tpu.core_type<sc_vector_subcore>, window_params = [{transform_indices = #map}, {transform_indices = #map}, {transform_indices = #map}, {transform_indices = #map}, {transform_indices = #map}, {transform_indices = #map1}, {transform_indices = #map1}, {transform_indices = #map}, {transform_indices = #map1}, {transform_indices = #map2}]} {
    %mul3A = arith.constant 2 : i32
    %mul3A_0 = arith.muli %arg1, %mul3A : i32
    %add3A = arith.addi %mul3A_0, %arg0 : i32
    "tpu.region"() ({
      %run_scoped3A = tpu.sem_alloc : memref<!tpu.dma_semaphore, #tpu.memory_space<semaphore_mem>>
      tpu.enqueue_dma source(%arg4 : memref<10000xf32, #tpu.memory_space<hbm>>) target(%arg12 : memref<10000xf32, #tpu.memory_space<vmem>>) target_semaphore(%run_scoped3A : memref<!tpu.dma_semaphore, #tpu.memory_space<semaphore_mem>>)
      tpu.wait_dma2 semaphore(%run_scoped3A : memref<!tpu.dma_semaphore, #tpu.memory_space<semaphore_mem>>) src(%arg4 : memref<10000xf32, #tpu.memory_space<hbm>>) dst(%arg12 : memref<10000xf32, #tpu.memory_space<vmem>>)
      tpu.yield
    }) : () -> ()
    "tpu.region"() ({
      %run_scoped3A = tpu.sem_alloc : memref<!tpu.dma_semaphore, #tpu.memory_space<semaphore_mem>>
      tpu.enqueue_dma source(%arg5 : memref<10000xf32, #tpu.memory_space<hbm>>) target(%arg13 : memref<10000xf32, #tpu.memory_space<vmem>>) target_semaphore(%run_scoped3A : memref<!tpu.dma_semaphore, #tpu.memory_space<semaphore_mem>>)
      tpu.wait_dma2 semaphore(%run_scoped3A : memref<!tpu.dma_semaphore, #tpu.memory_space<semaphore_mem>>) src(%arg5 : memref<10000xf32, #tpu.memory_space<hbm>>) dst(%arg13 : memref<10000xf32, #tpu.memory_space<vmem>>)
      tpu.yield
    }) : () -> ()
    %mul3A_1 = arith.constant 640 : i32
    %mul3A_2 = arith.muli %arg1, %mul3A_1 : i32
    "tpu.region"() ({
      %run_scoped3A = tpu.sem_alloc : memref<!tpu.dma_semaphore, #tpu.memory_space<semaphore_mem>>
      %dma_start3A = tpu.memref_slice %arg28[%mul3A_2] : memref<10240xf32, #tpu.memory_space<vmem_shared>> -> memref<640xf32, #tpu.memory_space<vmem_shared>>
      tpu.enqueue_dma source(%arg6 : memref<640xf32, #tpu.memory_space<hbm>>) target(%dma_start3A : memref<640xf32, #tpu.memory_space<vmem_shared>>) target_semaphore(%run_scoped3A : memref<!tpu.dma_semaphore, #tpu.memory_space<semaphore_mem>>)
      %dma_wait3A = tpu.memref_slice %arg28[%mul3A_2] : memref<10240xf32, #tpu.memory_space<vmem_shared>> -> memref<640xf32, #tpu.memory_space<vmem_shared>>
      tpu.wait_dma2 semaphore(%run_scoped3A : memref<!tpu.dma_semaphore, #tpu.memory_space<semaphore_mem>>) src(%arg6 : memref<640xf32, #tpu.memory_space<hbm>>) dst(%dma_wait3A : memref<640xf32, #tpu.memory_space<vmem_shared>>)
      tpu.yield
    }) : () -> ()
    %mul3A_3 = arith.constant 640 : i32
    %mul3A_4 = arith.muli %arg1, %mul3A_3 : i32
    "tpu.region"() ({
      %run_scoped3A = tpu.sem_alloc : memref<!tpu.dma_semaphore, #tpu.memory_space<semaphore_mem>>
      %dma_start3A = arith.constant 0 : i32
      %dma_start3A_19 = tpu.memref_slice %arg29[%mul3A_4, %dma_start3A] : memref<10240x128xf32, #tpu.memory_space<vmem_shared>> -> memref<640x128xf32, #tpu.memory_space<vmem_shared>>
      tpu.enqueue_dma source(%arg7 : memref<640x128xf32, #tpu.memory_space<hbm>>) target(%dma_start3A_19 : memref<640x128xf32, #tpu.memory_space<vmem_shared>>) target_semaphore(%run_scoped3A : memref<!tpu.dma_semaphore, #tpu.memory_space<semaphore_mem>>)
      %dma_wait3A = arith.constant 0 : i32
      %dma_wait3A_20 = tpu.memref_slice %arg29[%mul3A_4, %dma_wait3A] : memref<10240x128xf32, #tpu.memory_space<vmem_shared>> -> memref<640x128xf32, #tpu.memory_space<vmem_shared>>
      tpu.wait_dma2 semaphore(%run_scoped3A : memref<!tpu.dma_semaphore, #tpu.memory_space<semaphore_mem>>) src(%arg7 : memref<640x128xf32, #tpu.memory_space<hbm>>) dst(%dma_wait3A_20 : memref<640x128xf32, #tpu.memory_space<vmem_shared>>)
      tpu.yield
    }) : () -> ()
    %barrier3A = arith.constant 0 : index
    tpu.barrier barrier_id(%barrier3A)
    %iota3A = tpu.iota {dimensions = array<i32: 0>} : vector<16xi32>
    %scan3A = arith.constant 0 : i32
    %scan3A_5 = arith.constant 0 : i32
    %scan3A_6 = arith.constant 40 : i32
    %scan3A_7 = arith.addi %scan3A_5, %scan3A_6 : i32
    %scan3A_8 = arith.constant 1 : i32
    scf.for %scan3A_19 = %scan3A_5 to %scan3A_7 step %scan3A_8  : i32 {
      %mul3A_20 = arith.constant 5120 : i32
      %mul3A_21 = arith.muli %add3A, %mul3A_20 : i32
      %mul3A_22 = arith.constant 2 : i32
      %mul3A_23 = arith.muli %mul3A_22, %scan3A_19 : i32
      %mul3A_24 = arith.constant 64 : i32
      %mul3A_25 = arith.muli %mul3A_23, %mul3A_24 : i32
      %add3A_26 = arith.addi %mul3A_21, %mul3A_25 : i32
      %add3A_27 = arith.constant 64 : i32
      %add3A_28 = arith.addi %add3A_26, %add3A_27 : i32
      "tpu.region"() ({
        %run_scoped3A = tpu.sem_alloc : memref<!tpu.dma_semaphore, #tpu.memory_space<semaphore_mem>>
        %dma_start3A_266 = tpu.memref_slice %arg2[%add3A_26] : memref<163840xi32, #tpu.memory_space<hbm>> -> memref<64xi32, #tpu.memory_space<hbm>>
        %dma_start3A_267 = tpu.memref_slice %arg2[%add3A_26] : memref<163840xi32, #tpu.memory_space<hbm>> -> memref<64xi32, #tpu.memory_space<hbm>>
        tpu.enqueue_dma source(%dma_start3A_267 : memref<64xi32, #tpu.memory_space<hbm>>) target(%arg14 : memref<64xi32, #tpu.memory_space<vmem>>) target_semaphore(%run_scoped3A : memref<!tpu.dma_semaphore, #tpu.memory_space<semaphore_mem>>)
        %dma_wait3A_268 = tpu.memref_slice %arg2[%add3A_26] : memref<163840xi32, #tpu.memory_space<hbm>> -> memref<64xi32, #tpu.memory_space<hbm>>
        %dma_wait3A_269 = tpu.memref_slice %arg2[%add3A_26] : memref<163840xi32, #tpu.memory_space<hbm>> -> memref<64xi32, #tpu.memory_space<hbm>>
        tpu.wait_dma2 semaphore(%run_scoped3A : memref<!tpu.dma_semaphore, #tpu.memory_space<semaphore_mem>>) src(%dma_wait3A_269 : memref<64xi32, #tpu.memory_space<hbm>>) dst(%arg14 : memref<64xi32, #tpu.memory_space<vmem>>)
        tpu.yield
      }) : () -> ()
      "tpu.region"() ({
        %run_scoped3A = tpu.sem_alloc : memref<!tpu.dma_semaphore, #tpu.memory_space<semaphore_mem>>
        %dma_start3A_266 = tpu.memref_slice %arg3[%add3A_26] : memref<163840xi32, #tpu.memory_space<hbm>> -> memref<64xi32, #tpu.memory_space<hbm>>
        %dma_start3A_267 = tpu.memref_slice %arg3[%add3A_26] : memref<163840xi32, #tpu.memory_space<hbm>> -> memref<64xi32, #tpu.memory_space<hbm>>
        tpu.enqueue_dma source(%dma_start3A_267 : memref<64xi32, #tpu.memory_space<hbm>>) target(%arg16 : memref<64xi32, #tpu.memory_space<vmem>>) target_semaphore(%run_scoped3A : memref<!tpu.dma_semaphore, #tpu.memory_space<semaphore_mem>>)
        %dma_wait3A_268 = tpu.memref_slice %arg3[%add3A_26] : memref<163840xi32, #tpu.memory_space<hbm>> -> memref<64xi32, #tpu.memory_space<hbm>>
        %dma_wait3A_269 = tpu.memref_slice %arg3[%add3A_26] : memref<163840xi32, #tpu.memory_space<hbm>> -> memref<64xi32, #tpu.memory_space<hbm>>
        tpu.wait_dma2 semaphore(%run_scoped3A : memref<!tpu.dma_semaphore, #tpu.memory_space<semaphore_mem>>) src(%dma_wait3A_269 : memref<64xi32, #tpu.memory_space<hbm>>) dst(%arg16 : memref<64xi32, #tpu.memory_space<vmem>>)
        tpu.yield
      }) : () -> ()
      %dma_start3A = arith.constant 0 : i32
      %dma_start3A_29 = arith.constant 0 : i32
      %dma_start3A_30 = tpu.memref_slice %arg8[%dma_start3A, %dma_start3A_29] : memref<10000x128xf32, #tpu.memory_space<hbm>> -> memref<10000x128xf32, #tpu.memory_space<hbm>>
      tpu.enqueue_indirect_dma source(%dma_start3A_30 : memref<10000x128xf32, #tpu.memory_space<hbm>>) target(%arg20 : memref<64x128xf32, #tpu.memory_space<vmem>>) offsets(%arg14 : memref<64xi32, #tpu.memory_space<vmem>>) semaphore(%arg24 : memref<!tpu.dma_semaphore, #tpu.memory_space<semaphore_mem>>)
      "tpu.region"() ({
        %run_scoped3A = tpu.sem_alloc : memref<!tpu.dma_semaphore, #tpu.memory_space<semaphore_mem>>
        %dma_start3A_266 = tpu.memref_slice %arg2[%add3A_28] : memref<163840xi32, #tpu.memory_space<hbm>> -> memref<64xi32, #tpu.memory_space<hbm>>
        %dma_start3A_267 = tpu.memref_slice %arg2[%add3A_28] : memref<163840xi32, #tpu.memory_space<hbm>> -> memref<64xi32, #tpu.memory_space<hbm>>
        tpu.enqueue_dma source(%dma_start3A_267 : memref<64xi32, #tpu.memory_space<hbm>>) target(%arg15 : memref<64xi32, #tpu.memory_space<vmem>>) target_semaphore(%run_scoped3A : memref<!tpu.dma_semaphore, #tpu.memory_space<semaphore_mem>>)
        %dma_wait3A_268 = tpu.memref_slice %arg2[%add3A_28] : memref<163840xi32, #tpu.memory_space<hbm>> -> memref<64xi32, #tpu.memory_space<hbm>>
        %dma_wait3A_269 = tpu.memref_slice %arg2[%add3A_28] : memref<163840xi32, #tpu.memory_space<hbm>> -> memref<64xi32, #tpu.memory_space<hbm>>
        tpu.wait_dma2 semaphore(%run_scoped3A : memref<!tpu.dma_semaphore, #tpu.memory_space<semaphore_mem>>) src(%dma_wait3A_269 : memref<64xi32, #tpu.memory_space<hbm>>) dst(%arg15 : memref<64xi32, #tpu.memory_space<vmem>>)
        tpu.yield
      }) : () -> ()
      "tpu.region"() ({
        %run_scoped3A = tpu.sem_alloc : memref<!tpu.dma_semaphore, #tpu.memory_space<semaphore_mem>>
        %dma_start3A_266 = tpu.memref_slice %arg3[%add3A_28] : memref<163840xi32, #tpu.memory_space<hbm>> -> memref<64xi32, #tpu.memory_space<hbm>>
        %dma_start3A_267 = tpu.memref_slice %arg3[%add3A_28] : memref<163840xi32, #tpu.memory_space<hbm>> -> memref<64xi32, #tpu.memory_space<hbm>>
        tpu.enqueue_dma source(%dma_start3A_267 : memref<64xi32, #tpu.memory_space<hbm>>) target(%arg17 : memref<64xi32, #tpu.memory_space<vmem>>) target_semaphore(%run_scoped3A : memref<!tpu.dma_semaphore, #tpu.memory_space<semaphore_mem>>)
        %dma_wait3A_268 = tpu.memref_slice %arg3[%add3A_28] : memref<163840xi32, #tpu.memory_space<hbm>> -> memref<64xi32, #tpu.memory_space<hbm>>
        %dma_wait3A_269 = tpu.memref_slice %arg3[%add3A_28] : memref<163840xi32, #tpu.memory_space<hbm>> -> memref<64xi32, #tpu.memory_space<hbm>>
        tpu.wait_dma2 semaphore(%run_scoped3A : memref<!tpu.dma_semaphore, #tpu.memory_space<semaphore_mem>>) src(%dma_wait3A_269 : memref<64xi32, #tpu.memory_space<hbm>>) dst(%arg17 : memref<64xi32, #tpu.memory_space<vmem>>)
        tpu.yield
      }) : () -> ()
      %dma_start3A_31 = arith.constant 0 : i32
      %dma_start3A_32 = arith.constant 0 : i32
      %dma_start3A_33 = tpu.memref_slice %arg8[%dma_start3A_31, %dma_start3A_32] : memref<10000x128xf32, #tpu.memory_space<hbm>> -> memref<10000x128xf32, #tpu.memory_space<hbm>>
      tpu.enqueue_indirect_dma source(%dma_start3A_33 : memref<10000x128xf32, #tpu.memory_space<hbm>>) target(%arg21 : memref<64x128xf32, #tpu.memory_space<vmem>>) offsets(%arg15 : memref<64xi32, #tpu.memory_space<vmem>>) semaphore(%arg25 : memref<!tpu.dma_semaphore, #tpu.memory_space<semaphore_mem>>)
      %get3A = arith.constant 0 : index
      %get3A_34 = tpu.vector_load %arg14[%get3A] {strides = array<i32>} : memref<64xi32, #tpu.memory_space<vmem>>, vector<16xi32>,
      %get3A_35 = arith.constant 0 : index
      %get3A_36 = tpu.vector_load %arg16[%get3A_35] {strides = array<i32>} : memref<64xi32, #tpu.memory_space<vmem>>, vector<16xi32>,
      %gather3A = tpu.vector_load_idx %arg12[%get3A_34] : memref<10000xf32, #tpu.memory_space<vmem>>[vector<16xi32>], vector<16xf32>,
      %gather3A_37 = tpu.vector_load_idx %arg13[%get3A_36] : memref<10000xf32, #tpu.memory_space<vmem>>[vector<16xi32>], vector<16xf32>,
      %add3A_38 = arith.addf %gather3A, %gather3A_37 : vector<16xf32>
      %ge3A = arith.constant 0.000000e+00 : f32
      %ge3A_39 = vector.broadcast %ge3A : f32 to vector<16xf32>
      %ge3A_40 = arith.cmpf oge, %add3A_38, %ge3A_39 : vector<16xf32>
      %mul3A_41 = arith.constant 2.000000e-01 : f32
      %mul3A_42 = vector.broadcast %mul3A_41 : f32 to vector<16xf32>
      %mul3A_43 = arith.mulf %mul3A_42, %add3A_38 : vector<16xf32>
      %select_n3A = arith.select %ge3A_40, %add3A_38, %mul3A_43 : vector<16xi1>, vector<16xf32>
      %exp3A = math.exp %select_n3A : vector<16xf32>
      %add3A_44 = arith.constant 0 : i32
      %add3A_45 = arith.addi %add3A_26, %add3A_44 : i32
      %add3A_46 = vector.broadcast %add3A_45 : i32 to vector<16xi32>
      %add3A_47 = arith.addi %add3A_46, %iota3A : vector<16xi32>
      %lt3A = arith.constant 160000 : i32
      %lt3A_48 = vector.broadcast %lt3A : i32 to vector<16xi32>
      %lt3A_49 = arith.cmpi slt, %add3A_47, %lt3A_48 : vector<16xi32>
      %jit3A = arith.constant 0.000000e+00 : f32
      %broadcast_in_dim3A = vector.broadcast %jit3A : f32 to vector<16xf32>
      %select_n3A_50 = arith.select %lt3A_49, %exp3A, %broadcast_in_dim3A : vector<16xi1>, vector<16xf32>
      %swap3A = arith.constant 0 : index
      %swap3A_51 = tpu.vector_load %arg18[%swap3A] {strides = array<i32>} : memref<64xf32, #tpu.memory_space<vmem>>, vector<16xf32>,
      tpu.vector_store %arg18[%swap3A], %select_n3A_50 {strides = array<i32>} : memref<64xf32, #tpu.memory_space<vmem>>, vector<16xf32>,
      %get3A_52 = arith.constant 16 : index
      %get3A_53 = tpu.vector_load %arg14[%get3A_52] {strides = array<i32>} : memref<64xi32, #tpu.memory_space<vmem>>, vector<16xi32>,
      %get3A_54 = arith.constant 16 : index
      %get3A_55 = tpu.vector_load %arg16[%get3A_54] {strides = array<i32>} : memref<64xi32, #tpu.memory_space<vmem>>, vector<16xi32>,
      %gather3A_56 = tpu.vector_load_idx %arg12[%get3A_53] : memref<10000xf32, #tpu.memory_space<vmem>>[vector<16xi32>], vector<16xf32>,
      %gather3A_57 = tpu.vector_load_idx %arg13[%get3A_55] : memref<10000xf32, #tpu.memory_space<vmem>>[vector<16xi32>], vector<16xf32>,
      %add3A_58 = arith.addf %gather3A_56, %gather3A_57 : vector<16xf32>
      %ge3A_59 = arith.constant 0.000000e+00 : f32
      %ge3A_60 = vector.broadcast %ge3A_59 : f32 to vector<16xf32>
      %ge3A_61 = arith.cmpf oge, %add3A_58, %ge3A_60 : vector<16xf32>
      %mul3A_62 = arith.constant 2.000000e-01 : f32
      %mul3A_63 = vector.broadcast %mul3A_62 : f32 to vector<16xf32>
      %mul3A_64 = arith.mulf %mul3A_63, %add3A_58 : vector<16xf32>
      %select_n3A_65 = arith.select %ge3A_61, %add3A_58, %mul3A_64 : vector<16xi1>, vector<16xf32>
      %exp3A_66 = math.exp %select_n3A_65 : vector<16xf32>
      %add3A_67 = arith.constant 16 : i32
      %add3A_68 = arith.addi %add3A_26, %add3A_67 : i32
      %add3A_69 = vector.broadcast %add3A_68 : i32 to vector<16xi32>
      %add3A_70 = arith.addi %add3A_69, %iota3A : vector<16xi32>
      %lt3A_71 = arith.constant 160000 : i32
      %lt3A_72 = vector.broadcast %lt3A_71 : i32 to vector<16xi32>
      %lt3A_73 = arith.cmpi slt, %add3A_70, %lt3A_72 : vector<16xi32>
      %jit3A_74 = arith.constant 0.000000e+00 : f32
      %broadcast_in_dim3A_75 = vector.broadcast %jit3A_74 : f32 to vector<16xf32>
      %select_n3A_76 = arith.select %lt3A_73, %exp3A_66, %broadcast_in_dim3A_75 : vector<16xi1>, vector<16xf32>
      %swap3A_77 = arith.constant 16 : index
      %swap3A_78 = tpu.vector_load %arg18[%swap3A_77] {strides = array<i32>} : memref<64xf32, #tpu.memory_space<vmem>>, vector<16xf32>,
      tpu.vector_store %arg18[%swap3A_77], %select_n3A_76 {strides = array<i32>} : memref<64xf32, #tpu.memory_space<vmem>>, vector<16xf32>,
      %get3A_79 = arith.constant 32 : index
      %get3A_80 = tpu.vector_load %arg14[%get3A_79] {strides = array<i32>} : memref<64xi32, #tpu.memory_space<vmem>>, vector<16xi32>,
      %get3A_81 = arith.constant 32 : index
      %get3A_82 = tpu.vector_load %arg16[%get3A_81] {strides = array<i32>} : memref<64xi32, #tpu.memory_space<vmem>>, vector<16xi32>,
      %gather3A_83 = tpu.vector_load_idx %arg12[%get3A_80] : memref<10000xf32, #tpu.memory_space<vmem>>[vector<16xi32>], vector<16xf32>,
      %gather3A_84 = tpu.vector_load_idx %arg13[%get3A_82] : memref<10000xf32, #tpu.memory_space<vmem>>[vector<16xi32>], vector<16xf32>,
      %add3A_85 = arith.addf %gather3A_83, %gather3A_84 : vector<16xf32>
      %ge3A_86 = arith.constant 0.000000e+00 : f32
      %ge3A_87 = vector.broadcast %ge3A_86 : f32 to vector<16xf32>
      %ge3A_88 = arith.cmpf oge, %add3A_85, %ge3A_87 : vector<16xf32>
      %mul3A_89 = arith.constant 2.000000e-01 : f32
      %mul3A_90 = vector.broadcast %mul3A_89 : f32 to vector<16xf32>
      %mul3A_91 = arith.mulf %mul3A_90, %add3A_85 : vector<16xf32>
      %select_n3A_92 = arith.select %ge3A_88, %add3A_85, %mul3A_91 : vector<16xi1>, vector<16xf32>
      %exp3A_93 = math.exp %select_n3A_92 : vector<16xf32>
      %add3A_94 = arith.constant 32 : i32
      %add3A_95 = arith.addi %add3A_26, %add3A_94 : i32
      %add3A_96 = vector.broadcast %add3A_95 : i32 to vector<16xi32>
      %add3A_97 = arith.addi %add3A_96, %iota3A : vector<16xi32>
      %lt3A_98 = arith.constant 160000 : i32
      %lt3A_99 = vector.broadcast %lt3A_98 : i32 to vector<16xi32>
      %lt3A_100 = arith.cmpi slt, %add3A_97, %lt3A_99 : vector<16xi32>
      %jit3A_101 = arith.constant 0.000000e+00 : f32
      %broadcast_in_dim3A_102 = vector.broadcast %jit3A_101 : f32 to vector<16xf32>
      %select_n3A_103 = arith.select %lt3A_100, %exp3A_93, %broadcast_in_dim3A_102 : vector<16xi1>, vector<16xf32>
      %swap3A_104 = arith.constant 32 : index
      %swap3A_105 = tpu.vector_load %arg18[%swap3A_104] {strides = array<i32>} : memref<64xf32, #tpu.memory_space<vmem>>, vector<16xf32>,
      tpu.vector_store %arg18[%swap3A_104], %select_n3A_103 {strides = array<i32>} : memref<64xf32, #tpu.memory_space<vmem>>, vector<16xf32>,
      %get3A_106 = arith.constant 48 : index
      %get3A_107 = tpu.vector_load %arg14[%get3A_106] {strides = array<i32>} : memref<64xi32, #tpu.memory_space<vmem>>, vector<16xi32>,
      %get3A_108 = arith.constant 48 : index
      %get3A_109 = tpu.vector_load %arg16[%get3A_108] {strides = array<i32>} : memref<64xi32, #tpu.memory_space<vmem>>, vector<16xi32>,
      %gather3A_110 = tpu.vector_load_idx %arg12[%get3A_107] : memref<10000xf32, #tpu.memory_space<vmem>>[vector<16xi32>], vector<16xf32>,
      %gather3A_111 = tpu.vector_load_idx %arg13[%get3A_109] : memref<10000xf32, #tpu.memory_space<vmem>>[vector<16xi32>], vector<16xf32>,
      %add3A_112 = arith.addf %gather3A_110, %gather3A_111 : vector<16xf32>
      %ge3A_113 = arith.constant 0.000000e+00 : f32
      %ge3A_114 = vector.broadcast %ge3A_113 : f32 to vector<16xf32>
      %ge3A_115 = arith.cmpf oge, %add3A_112, %ge3A_114 : vector<16xf32>
      %mul3A_116 = arith.constant 2.000000e-01 : f32
      %mul3A_117 = vector.broadcast %mul3A_116 : f32 to vector<16xf32>
      %mul3A_118 = arith.mulf %mul3A_117, %add3A_112 : vector<16xf32>
      %select_n3A_119 = arith.select %ge3A_115, %add3A_112, %mul3A_118 : vector<16xi1>, vector<16xf32>
      %exp3A_120 = math.exp %select_n3A_119 : vector<16xf32>
      %add3A_121 = arith.constant 48 : i32
      %add3A_122 = arith.addi %add3A_26, %add3A_121 : i32
      %add3A_123 = vector.broadcast %add3A_122 : i32 to vector<16xi32>
      %add3A_124 = arith.addi %add3A_123, %iota3A : vector<16xi32>
      %lt3A_125 = arith.constant 160000 : i32
      %lt3A_126 = vector.broadcast %lt3A_125 : i32 to vector<16xi32>
      %lt3A_127 = arith.cmpi slt, %add3A_124, %lt3A_126 : vector<16xi32>
      %jit3A_128 = arith.constant 0.000000e+00 : f32
      %broadcast_in_dim3A_129 = vector.broadcast %jit3A_128 : f32 to vector<16xf32>
      %select_n3A_130 = arith.select %lt3A_127, %exp3A_120, %broadcast_in_dim3A_129 : vector<16xi1>, vector<16xf32>
      %swap3A_131 = arith.constant 48 : index
      %swap3A_132 = tpu.vector_load %arg18[%swap3A_131] {strides = array<i32>} : memref<64xf32, #tpu.memory_space<vmem>>, vector<16xf32>,
      tpu.vector_store %arg18[%swap3A_131], %select_n3A_130 {strides = array<i32>} : memref<64xf32, #tpu.memory_space<vmem>>, vector<16xf32>,
      %dma_start3A_133 = tpu.memref_slice %arg9[%add3A_26] : memref<163840xf32, #tpu.memory_space<hbm>> -> memref<64xf32, #tpu.memory_space<hbm>>
      %dma_start3A_134 = tpu.memref_slice %arg9[%add3A_26] : memref<163840xf32, #tpu.memory_space<hbm>> -> memref<64xf32, #tpu.memory_space<hbm>>
      tpu.enqueue_dma source(%arg18 : memref<64xf32, #tpu.memory_space<vmem>>) target(%dma_start3A_134 : memref<64xf32, #tpu.memory_space<hbm>>) target_semaphore(%arg26 : memref<!tpu.dma_semaphore, #tpu.memory_space<semaphore_mem>>)
      "tpu.region"() ({
        %run_scoped3A = tpu.sem_alloc : memref<!tpu.dma_semaphore, #tpu.memory_space<semaphore_mem>>
        %dma_start3A_266 = arith.constant 0 : i32
        %dma_start3A_267 = tpu.memref_slice %arg28[%dma_start3A_266] : memref<10240xf32, #tpu.memory_space<vmem_shared>> -> memref<10240xf32, #tpu.memory_space<vmem_shared>>
        tpu.enqueue_indirect_dma source(%arg18 : memref<64xf32, #tpu.memory_space<vmem>>) target(%dma_start3A_267 : memref<10240xf32, #tpu.memory_space<vmem_shared>>) offsets(%arg16 : memref<64xi32, #tpu.memory_space<vmem>>) semaphore(%run_scoped3A : memref<!tpu.dma_semaphore, #tpu.memory_space<semaphore_mem>>) {add = true}
        %dma_wait3A_268 = arith.constant 0 : i32
        %dma_wait3A_269 = tpu.memref_slice %arg28[%dma_wait3A_268] : memref<10240xf32, #tpu.memory_space<vmem_shared>> -> memref<10240xf32, #tpu.memory_space<vmem_shared>>
        tpu.wait_indirect_dma semaphore(%run_scoped3A : memref<!tpu.dma_semaphore, #tpu.memory_space<semaphore_mem>>) src(%arg18 : memref<64xf32, #tpu.memory_space<vmem>>) dst(%dma_wait3A_269 : memref<10240xf32, #tpu.memory_space<vmem_shared>>)
        tpu.yield
      }) : () -> ()
      %get3A_135 = arith.constant 0 : index
      %get3A_136 = tpu.vector_load %arg15[%get3A_135] {strides = array<i32>} : memref<64xi32, #tpu.memory_space<vmem>>, vector<16xi32>,
      %get3A_137 = arith.constant 0 : index
      %get3A_138 = tpu.vector_load %arg17[%get3A_137] {strides = array<i32>} : memref<64xi32, #tpu.memory_space<vmem>>, vector<16xi32>,
      %gather3A_139 = tpu.vector_load_idx %arg12[%get3A_136] : memref<10000xf32, #tpu.memory_space<vmem>>[vector<16xi32>], vector<16xf32>,
      %gather3A_140 = tpu.vector_load_idx %arg13[%get3A_138] : memref<10000xf32, #tpu.memory_space<vmem>>[vector<16xi32>], vector<16xf32>,
      %add3A_141 = arith.addf %gather3A_139, %gather3A_140 : vector<16xf32>
      %ge3A_142 = arith.constant 0.000000e+00 : f32
      %ge3A_143 = vector.broadcast %ge3A_142 : f32 to vector<16xf32>
      %ge3A_144 = arith.cmpf oge, %add3A_141, %ge3A_143 : vector<16xf32>
      %mul3A_145 = arith.constant 2.000000e-01 : f32
      %mul3A_146 = vector.broadcast %mul3A_145 : f32 to vector<16xf32>
      %mul3A_147 = arith.mulf %mul3A_146, %add3A_141 : vector<16xf32>
      %select_n3A_148 = arith.select %ge3A_144, %add3A_141, %mul3A_147 : vector<16xi1>, vector<16xf32>
      %exp3A_149 = math.exp %select_n3A_148 : vector<16xf32>
      %add3A_150 = arith.constant 0 : i32
      %add3A_151 = arith.addi %add3A_28, %add3A_150 : i32
      %add3A_152 = vector.broadcast %add3A_151 : i32 to vector<16xi32>
      %add3A_153 = arith.addi %add3A_152, %iota3A : vector<16xi32>
      %lt3A_154 = arith.constant 160000 : i32
      %lt3A_155 = vector.broadcast %lt3A_154 : i32 to vector<16xi32>
      %lt3A_156 = arith.cmpi slt, %add3A_153, %lt3A_155 : vector<16xi32>
      %jit3A_157 = arith.constant 0.000000e+00 : f32
      %broadcast_in_dim3A_158 = vector.broadcast %jit3A_157 : f32 to vector<16xf32>
      %select_n3A_159 = arith.select %lt3A_156, %exp3A_149, %broadcast_in_dim3A_158 : vector<16xi1>, vector<16xf32>
      %swap3A_160 = arith.constant 0 : index
      %swap3A_161 = tpu.vector_load %arg19[%swap3A_160] {strides = array<i32>} : memref<64xf32, #tpu.memory_space<vmem>>, vector<16xf32>,
      tpu.vector_store %arg19[%swap3A_160], %select_n3A_159 {strides = array<i32>} : memref<64xf32, #tpu.memory_space<vmem>>, vector<16xf32>,
      %get3A_162 = arith.constant 16 : index
      %get3A_163 = tpu.vector_load %arg15[%get3A_162] {strides = array<i32>} : memref<64xi32, #tpu.memory_space<vmem>>, vector<16xi32>,
      %get3A_164 = arith.constant 16 : index
      %get3A_165 = tpu.vector_load %arg17[%get3A_164] {strides = array<i32>} : memref<64xi32, #tpu.memory_space<vmem>>, vector<16xi32>,
      %gather3A_166 = tpu.vector_load_idx %arg12[%get3A_163] : memref<10000xf32, #tpu.memory_space<vmem>>[vector<16xi32>], vector<16xf32>,
      %gather3A_167 = tpu.vector_load_idx %arg13[%get3A_165] : memref<10000xf32, #tpu.memory_space<vmem>>[vector<16xi32>], vector<16xf32>,
      %add3A_168 = arith.addf %gather3A_166, %gather3A_167 : vector<16xf32>
      %ge3A_169 = arith.constant 0.000000e+00 : f32
      %ge3A_170 = vector.broadcast %ge3A_169 : f32 to vector<16xf32>
      %ge3A_171 = arith.cmpf oge, %add3A_168, %ge3A_170 : vector<16xf32>
      %mul3A_172 = arith.constant 2.000000e-01 : f32
      %mul3A_173 = vector.broadcast %mul3A_172 : f32 to vector<16xf32>
      %mul3A_174 = arith.mulf %mul3A_173, %add3A_168 : vector<16xf32>
      %select_n3A_175 = arith.select %ge3A_171, %add3A_168, %mul3A_174 : vector<16xi1>, vector<16xf32>
      %exp3A_176 = math.exp %select_n3A_175 : vector<16xf32>
      %add3A_177 = arith.constant 16 : i32
      %add3A_178 = arith.addi %add3A_28, %add3A_177 : i32
      %add3A_179 = vector.broadcast %add3A_178 : i32 to vector<16xi32>
      %add3A_180 = arith.addi %add3A_179, %iota3A : vector<16xi32>
      %lt3A_181 = arith.constant 160000 : i32
      %lt3A_182 = vector.broadcast %lt3A_181 : i32 to vector<16xi32>
      %lt3A_183 = arith.cmpi slt, %add3A_180, %lt3A_182 : vector<16xi32>
      %jit3A_184 = arith.constant 0.000000e+00 : f32
      %broadcast_in_dim3A_185 = vector.broadcast %jit3A_184 : f32 to vector<16xf32>
      %select_n3A_186 = arith.select %lt3A_183, %exp3A_176, %broadcast_in_dim3A_185 : vector<16xi1>, vector<16xf32>
      %swap3A_187 = arith.constant 16 : index
      %swap3A_188 = tpu.vector_load %arg19[%swap3A_187] {strides = array<i32>} : memref<64xf32, #tpu.memory_space<vmem>>, vector<16xf32>,
      tpu.vector_store %arg19[%swap3A_187], %select_n3A_186 {strides = array<i32>} : memref<64xf32, #tpu.memory_space<vmem>>, vector<16xf32>,
      %get3A_189 = arith.constant 32 : index
      %get3A_190 = tpu.vector_load %arg15[%get3A_189] {strides = array<i32>} : memref<64xi32, #tpu.memory_space<vmem>>, vector<16xi32>,
      %get3A_191 = arith.constant 32 : index
      %get3A_192 = tpu.vector_load %arg17[%get3A_191] {strides = array<i32>} : memref<64xi32, #tpu.memory_space<vmem>>, vector<16xi32>,
      %gather3A_193 = tpu.vector_load_idx %arg12[%get3A_190] : memref<10000xf32, #tpu.memory_space<vmem>>[vector<16xi32>], vector<16xf32>,
      %gather3A_194 = tpu.vector_load_idx %arg13[%get3A_192] : memref<10000xf32, #tpu.memory_space<vmem>>[vector<16xi32>], vector<16xf32>,
      %add3A_195 = arith.addf %gather3A_193, %gather3A_194 : vector<16xf32>
      %ge3A_196 = arith.constant 0.000000e+00 : f32
      %ge3A_197 = vector.broadcast %ge3A_196 : f32 to vector<16xf32>
      %ge3A_198 = arith.cmpf oge, %add3A_195, %ge3A_197 : vector<16xf32>
      %mul3A_199 = arith.constant 2.000000e-01 : f32
      %mul3A_200 = vector.broadcast %mul3A_199 : f32 to vector<16xf32>
      %mul3A_201 = arith.mulf %mul3A_200, %add3A_195 : vector<16xf32>
      %select_n3A_202 = arith.select %ge3A_198, %add3A_195, %mul3A_201 : vector<16xi1>, vector<16xf32>
      %exp3A_203 = math.exp %select_n3A_202 : vector<16xf32>
      %add3A_204 = arith.constant 32 : i32
      %add3A_205 = arith.addi %add3A_28, %add3A_204 : i32
      %add3A_206 = vector.broadcast %add3A_205 : i32 to vector<16xi32>
      %add3A_207 = arith.addi %add3A_206, %iota3A : vector<16xi32>
      %lt3A_208 = arith.constant 160000 : i32
      %lt3A_209 = vector.broadcast %lt3A_208 : i32 to vector<16xi32>
      %lt3A_210 = arith.cmpi slt, %add3A_207, %lt3A_209 : vector<16xi32>
      %jit3A_211 = arith.constant 0.000000e+00 : f32
      %broadcast_in_dim3A_212 = vector.broadcast %jit3A_211 : f32 to vector<16xf32>
      %select_n3A_213 = arith.select %lt3A_210, %exp3A_203, %broadcast_in_dim3A_212 : vector<16xi1>, vector<16xf32>
      %swap3A_214 = arith.constant 32 : index
      %swap3A_215 = tpu.vector_load %arg19[%swap3A_214] {strides = array<i32>} : memref<64xf32, #tpu.memory_space<vmem>>, vector<16xf32>,
      tpu.vector_store %arg19[%swap3A_214], %select_n3A_213 {strides = array<i32>} : memref<64xf32, #tpu.memory_space<vmem>>, vector<16xf32>,
      %get3A_216 = arith.constant 48 : index
      %get3A_217 = tpu.vector_load %arg15[%get3A_216] {strides = array<i32>} : memref<64xi32, #tpu.memory_space<vmem>>, vector<16xi32>,
      %get3A_218 = arith.constant 48 : index
      %get3A_219 = tpu.vector_load %arg17[%get3A_218] {strides = array<i32>} : memref<64xi32, #tpu.memory_space<vmem>>, vector<16xi32>,
      %gather3A_220 = tpu.vector_load_idx %arg12[%get3A_217] : memref<10000xf32, #tpu.memory_space<vmem>>[vector<16xi32>], vector<16xf32>,
      %gather3A_221 = tpu.vector_load_idx %arg13[%get3A_219] : memref<10000xf32, #tpu.memory_space<vmem>>[vector<16xi32>], vector<16xf32>,
      %add3A_222 = arith.addf %gather3A_220, %gather3A_221 : vector<16xf32>
      %ge3A_223 = arith.constant 0.000000e+00 : f32
      %ge3A_224 = vector.broadcast %ge3A_223 : f32 to vector<16xf32>
      %ge3A_225 = arith.cmpf oge, %add3A_222, %ge3A_224 : vector<16xf32>
      %mul3A_226 = arith.constant 2.000000e-01 : f32
      %mul3A_227 = vector.broadcast %mul3A_226 : f32 to vector<16xf32>
      %mul3A_228 = arith.mulf %mul3A_227, %add3A_222 : vector<16xf32>
      %select_n3A_229 = arith.select %ge3A_225, %add3A_222, %mul3A_228 : vector<16xi1>, vector<16xf32>
      %exp3A_230 = math.exp %select_n3A_229 : vector<16xf32>
      %add3A_231 = arith.constant 48 : i32
      %add3A_232 = arith.addi %add3A_28, %add3A_231 : i32
      %add3A_233 = vector.broadcast %add3A_232 : i32 to vector<16xi32>
      %add3A_234 = arith.addi %add3A_233, %iota3A : vector<16xi32>
      %lt3A_235 = arith.constant 160000 : i32
      %lt3A_236 = vector.broadcast %lt3A_235 : i32 to vector<16xi32>
      %lt3A_237 = arith.cmpi slt, %add3A_234, %lt3A_236 : vector<16xi32>
      %jit3A_238 = arith.constant 0.000000e+00 : f32
      %broadcast_in_dim3A_239 = vector.broadcast %jit3A_238 : f32 to vector<16xf32>
      %select_n3A_240 = arith.select %lt3A_237, %exp3A_230, %broadcast_in_dim3A_239 : vector<16xi1>, vector<16xf32>
      %swap3A_241 = arith.constant 48 : index
      %swap3A_242 = tpu.vector_load %arg19[%swap3A_241] {strides = array<i32>} : memref<64xf32, #tpu.memory_space<vmem>>, vector<16xf32>,
      tpu.vector_store %arg19[%swap3A_241], %select_n3A_240 {strides = array<i32>} : memref<64xf32, #tpu.memory_space<vmem>>, vector<16xf32>,
      %dma_start3A_243 = tpu.memref_slice %arg9[%add3A_28] : memref<163840xf32, #tpu.memory_space<hbm>> -> memref<64xf32, #tpu.memory_space<hbm>>
      %dma_start3A_244 = tpu.memref_slice %arg9[%add3A_28] : memref<163840xf32, #tpu.memory_space<hbm>> -> memref<64xf32, #tpu.memory_space<hbm>>
      tpu.enqueue_dma source(%arg19 : memref<64xf32, #tpu.memory_space<vmem>>) target(%dma_start3A_244 : memref<64xf32, #tpu.memory_space<hbm>>) target_semaphore(%arg27 : memref<!tpu.dma_semaphore, #tpu.memory_space<semaphore_mem>>)
      "tpu.region"() ({
        %run_scoped3A = tpu.sem_alloc : memref<!tpu.dma_semaphore, #tpu.memory_space<semaphore_mem>>
        %dma_start3A_266 = arith.constant 0 : i32
        %dma_start3A_267 = tpu.memref_slice %arg28[%dma_start3A_266] : memref<10240xf32, #tpu.memory_space<vmem_shared>> -> memref<10240xf32, #tpu.memory_space<vmem_shared>>
        tpu.enqueue_indirect_dma source(%arg19 : memref<64xf32, #tpu.memory_space<vmem>>) target(%dma_start3A_267 : memref<10240xf32, #tpu.memory_space<vmem_shared>>) offsets(%arg17 : memref<64xi32, #tpu.memory_space<vmem>>) semaphore(%run_scoped3A : memref<!tpu.dma_semaphore, #tpu.memory_space<semaphore_mem>>) {add = true}
        %dma_wait3A_268 = arith.constant 0 : i32
        %dma_wait3A_269 = tpu.memref_slice %arg28[%dma_wait3A_268] : memref<10240xf32, #tpu.memory_space<vmem_shared>> -> memref<10240xf32, #tpu.memory_space<vmem_shared>>
        tpu.wait_indirect_dma semaphore(%run_scoped3A : memref<!tpu.dma_semaphore, #tpu.memory_space<semaphore_mem>>) src(%arg19 : memref<64xf32, #tpu.memory_space<vmem>>) dst(%dma_wait3A_269 : memref<10240xf32, #tpu.memory_space<vmem_shared>>)
        tpu.yield
      }) : () -> ()
      %dma_wait3A = arith.constant 0 : i32
      %dma_wait3A_245 = arith.constant 0 : i32
      %dma_wait3A_246 = tpu.memref_slice %arg8[%dma_wait3A, %dma_wait3A_245] : memref<10000x128xf32, #tpu.memory_space<hbm>> -> memref<10000x128xf32, #tpu.memory_space<hbm>>
      tpu.wait_indirect_dma semaphore(%arg24 : memref<!tpu.dma_semaphore, #tpu.memory_space<semaphore_mem>>) src(%dma_wait3A_246 : memref<10000x128xf32, #tpu.memory_space<hbm>>) dst(%arg20 : memref<64x128xf32, #tpu.memory_space<vmem>>)
      %scan3A_247 = arith.constant 0 : i32
      %scan3A_248 = arith.constant 0 : i32
      %scan3A_249 = arith.constant 64 : i32
      %scan3A_250 = arith.addi %scan3A_248, %scan3A_249 : i32
      %scan3A_251 = arith.constant 2 : i32
      scf.for %scan3A_266 = %scan3A_248 to %scan3A_250 step %scan3A_251  : i32 {
        %broadcast_in_dim3A_267 = arith.constant 0 : i32
        %broadcast_in_dim3A_268 = vector.broadcast %broadcast_in_dim3A_267 : i32 to vector<16xi32>
        %add3A_269 = vector.broadcast %scan3A_266 : i32 to vector<16xi32>
        %add3A_270 = arith.addi %broadcast_in_dim3A_268, %add3A_269 : vector<16xi32>
        %gather3A_271 = tpu.vector_load_idx %arg18[%add3A_270] : memref<64xf32, #tpu.memory_space<vmem>>[vector<16xi32>], vector<16xf32>,
        %get3A_272 = arith.index_cast %scan3A_266 : i32 to index
        %get3A_273 = arith.constant 0 : index
        %get3A_274 = tpu.vector_load %arg20[%get3A_272, %get3A_273] {strides = array<i32>} : memref<64x128xf32, #tpu.memory_space<vmem>>, vector<16xf32>,
        %mul3A_275 = arith.mulf %get3A_274, %gather3A_271 : vector<16xf32>
        %swap3A_276 = arith.index_cast %scan3A_266 : i32 to index
        %swap3A_277 = arith.constant 0 : index
        %swap3A_278 = tpu.vector_load %arg20[%swap3A_276, %swap3A_277] {strides = array<i32>} : memref<64x128xf32, #tpu.memory_space<vmem>>, vector<16xf32>,
        tpu.vector_store %arg20[%swap3A_276, %swap3A_277], %mul3A_275 {strides = array<i32>} : memref<64x128xf32, #tpu.memory_space<vmem>>, vector<16xf32>,
        %get3A_279 = arith.index_cast %scan3A_266 : i32 to index
        %get3A_280 = arith.constant 16 : index
        %get3A_281 = tpu.vector_load %arg20[%get3A_279, %get3A_280] {strides = array<i32>} : memref<64x128xf32, #tpu.memory_space<vmem>>, vector<16xf32>,
        %mul3A_282 = arith.mulf %get3A_281, %gather3A_271 : vector<16xf32>
        %swap3A_283 = arith.index_cast %scan3A_266 : i32 to index
        %swap3A_284 = arith.constant 16 : index
        %swap3A_285 = tpu.vector_load %arg20[%swap3A_283, %swap3A_284] {strides = array<i32>} : memref<64x128xf32, #tpu.memory_space<vmem>>, vector<16xf32>,
        tpu.vector_store %arg20[%swap3A_283, %swap3A_284], %mul3A_282 {strides = array<i32>} : memref<64x128xf32, #tpu.memory_space<vmem>>, vector<16xf32>,
        %get3A_286 = arith.index_cast %scan3A_266 : i32 to index
        %get3A_287 = arith.constant 32 : index
        %get3A_288 = tpu.vector_load %arg20[%get3A_286, %get3A_287] {strides = array<i32>} : memref<64x128xf32, #tpu.memory_space<vmem>>, vector<16xf32>,
        %mul3A_289 = arith.mulf %get3A_288, %gather3A_271 : vector<16xf32>
        %swap3A_290 = arith.index_cast %scan3A_266 : i32 to index
        %swap3A_291 = arith.constant 32 : index
        %swap3A_292 = tpu.vector_load %arg20[%swap3A_290, %swap3A_291] {strides = array<i32>} : memref<64x128xf32, #tpu.memory_space<vmem>>, vector<16xf32>,
        tpu.vector_store %arg20[%swap3A_290, %swap3A_291], %mul3A_289 {strides = array<i32>} : memref<64x128xf32, #tpu.memory_space<vmem>>, vector<16xf32>,
        %get3A_293 = arith.index_cast %scan3A_266 : i32 to index
        %get3A_294 = arith.constant 48 : index
        %get3A_295 = tpu.vector_load %arg20[%get3A_293, %get3A_294] {strides = array<i32>} : memref<64x128xf32, #tpu.memory_space<vmem>>, vector<16xf32>,
        %mul3A_296 = arith.mulf %get3A_295, %gather3A_271 : vector<16xf32>
        %swap3A_297 = arith.index_cast %scan3A_266 : i32 to index
        %swap3A_298 = arith.constant 48 : index
        %swap3A_299 = tpu.vector_load %arg20[%swap3A_297, %swap3A_298] {strides = array<i32>} : memref<64x128xf32, #tpu.memory_space<vmem>>, vector<16xf32>,
        tpu.vector_store %arg20[%swap3A_297, %swap3A_298], %mul3A_296 {strides = array<i32>} : memref<64x128xf32, #tpu.memory_space<vmem>>, vector<16xf32>,
        %get3A_300 = arith.index_cast %scan3A_266 : i32 to index
        %get3A_301 = arith.constant 64 : index
        %get3A_302 = tpu.vector_load %arg20[%get3A_300, %get3A_301] {strides = array<i32>} : memref<64x128xf32, #tpu.memory_space<vmem>>, vector<16xf32>,
        %mul3A_303 = arith.mulf %get3A_302, %gather3A_271 : vector<16xf32>
        %swap3A_304 = arith.index_cast %scan3A_266 : i32 to index
        %swap3A_305 = arith.constant 64 : index
        %swap3A_306 = tpu.vector_load %arg20[%swap3A_304, %swap3A_305] {strides = array<i32>} : memref<64x128xf32, #tpu.memory_space<vmem>>, vector<16xf32>,
        tpu.vector_store %arg20[%swap3A_304, %swap3A_305], %mul3A_303 {strides = array<i32>} : memref<64x128xf32, #tpu.memory_space<vmem>>, vector<16xf32>,
        %get3A_307 = arith.index_cast %scan3A_266 : i32 to index
        %get3A_308 = arith.constant 80 : index
        %get3A_309 = tpu.vector_load %arg20[%get3A_307, %get3A_308] {strides = array<i32>} : memref<64x128xf32, #tpu.memory_space<vmem>>, vector<16xf32>,
        %mul3A_310 = arith.mulf %get3A_309, %gather3A_271 : vector<16xf32>
        %swap3A_311 = arith.index_cast %scan3A_266 : i32 to index
        %swap3A_312 = arith.constant 80 : index
        %swap3A_313 = tpu.vector_load %arg20[%swap3A_311, %swap3A_312] {strides = array<i32>} : memref<64x128xf32, #tpu.memory_space<vmem>>, vector<16xf32>,
        tpu.vector_store %arg20[%swap3A_311, %swap3A_312], %mul3A_310 {strides = array<i32>} : memref<64x128xf32, #tpu.memory_space<vmem>>, vector<16xf32>,
        %get3A_314 = arith.index_cast %scan3A_266 : i32 to index
        %get3A_315 = arith.constant 96 : index
        %get3A_316 = tpu.vector_load %arg20[%get3A_314, %get3A_315] {strides = array<i32>} : memref<64x128xf32, #tpu.memory_space<vmem>>, vector<16xf32>,
        %mul3A_317 = arith.mulf %get3A_316, %gather3A_271 : vector<16xf32>
        %swap3A_318 = arith.index_cast %scan3A_266 : i32 to index
        %swap3A_319 = arith.constant 96 : index
        %swap3A_320 = tpu.vector_load %arg20[%swap3A_318, %swap3A_319] {strides = array<i32>} : memref<64x128xf32, #tpu.memory_space<vmem>>, vector<16xf32>,
        tpu.vector_store %arg20[%swap3A_318, %swap3A_319], %mul3A_317 {strides = array<i32>} : memref<64x128xf32, #tpu.memory_space<vmem>>, vector<16xf32>,
        %get3A_321 = arith.index_cast %scan3A_266 : i32 to index
        %get3A_322 = arith.constant 112 : index
        %get3A_323 = tpu.vector_load %arg20[%get3A_321, %get3A_322] {strides = array<i32>} : memref<64x128xf32, #tpu.memory_space<vmem>>, vector<16xf32>,
        %mul3A_324 = arith.mulf %get3A_323, %gather3A_271 : vector<16xf32>
        %swap3A_325 = arith.index_cast %scan3A_266 : i32 to index
        %swap3A_326 = arith.constant 112 : index
        %swap3A_327 = tpu.vector_load %arg20[%swap3A_325, %swap3A_326] {strides = array<i32>} : memref<64x128xf32, #tpu.memory_space<vmem>>, vector<16xf32>,
        tpu.vector_store %arg20[%swap3A_325, %swap3A_326], %mul3A_324 {strides = array<i32>} : memref<64x128xf32, #tpu.memory_space<vmem>>, vector<16xf32>,
        %scan3A_328 = arith.constant 1 : i32
        %scan3A_329 = arith.addi %scan3A_266, %scan3A_328 : i32
        %broadcast_in_dim3A_330 = arith.constant 0 : i32
        %broadcast_in_dim3A_331 = vector.broadcast %broadcast_in_dim3A_330 : i32 to vector<16xi32>
        %add3A_332 = vector.broadcast %scan3A_329 : i32 to vector<16xi32>
        %add3A_333 = arith.addi %broadcast_in_dim3A_331, %add3A_332 : vector<16xi32>
        %gather3A_334 = tpu.vector_load_idx %arg18[%add3A_333] : memref<64xf32, #tpu.memory_space<vmem>>[vector<16xi32>], vector<16xf32>,
        %get3A_335 = arith.index_cast %scan3A_329 : i32 to index
        %get3A_336 = arith.constant 0 : index
        %get3A_337 = tpu.vector_load %arg20[%get3A_335, %get3A_336] {strides = array<i32>} : memref<64x128xf32, #tpu.memory_space<vmem>>, vector<16xf32>,
        %mul3A_338 = arith.mulf %get3A_337, %gather3A_334 : vector<16xf32>
        %swap3A_339 = arith.index_cast %scan3A_329 : i32 to index
        %swap3A_340 = arith.constant 0 : index
        %swap3A_341 = tpu.vector_load %arg20[%swap3A_339, %swap3A_340] {strides = array<i32>} : memref<64x128xf32, #tpu.memory_space<vmem>>, vector<16xf32>,
        tpu.vector_store %arg20[%swap3A_339, %swap3A_340], %mul3A_338 {strides = array<i32>} : memref<64x128xf32, #tpu.memory_space<vmem>>, vector<16xf32>,
        %get3A_342 = arith.index_cast %scan3A_329 : i32 to index
        %get3A_343 = arith.constant 16 : index
        %get3A_344 = tpu.vector_load %arg20[%get3A_342, %get3A_343] {strides = array<i32>} : memref<64x128xf32, #tpu.memory_space<vmem>>, vector<16xf32>,
        %mul3A_345 = arith.mulf %get3A_344, %gather3A_334 : vector<16xf32>
        %swap3A_346 = arith.index_cast %scan3A_329 : i32 to index
        %swap3A_347 = arith.constant 16 : index
        %swap3A_348 = tpu.vector_load %arg20[%swap3A_346, %swap3A_347] {strides = array<i32>} : memref<64x128xf32, #tpu.memory_space<vmem>>, vector<16xf32>,
        tpu.vector_store %arg20[%swap3A_346, %swap3A_347], %mul3A_345 {strides = array<i32>} : memref<64x128xf32, #tpu.memory_space<vmem>>, vector<16xf32>,
        %get3A_349 = arith.index_cast %scan3A_329 : i32 to index
        %get3A_350 = arith.constant 32 : index
        %get3A_351 = tpu.vector_load %arg20[%get3A_349, %get3A_350] {strides = array<i32>} : memref<64x128xf32, #tpu.memory_space<vmem>>, vector<16xf32>,
        %mul3A_352 = arith.mulf %get3A_351, %gather3A_334 : vector<16xf32>
        %swap3A_353 = arith.index_cast %scan3A_329 : i32 to index
        %swap3A_354 = arith.constant 32 : index
        %swap3A_355 = tpu.vector_load %arg20[%swap3A_353, %swap3A_354] {strides = array<i32>} : memref<64x128xf32, #tpu.memory_space<vmem>>, vector<16xf32>,
        tpu.vector_store %arg20[%swap3A_353, %swap3A_354], %mul3A_352 {strides = array<i32>} : memref<64x128xf32, #tpu.memory_space<vmem>>, vector<16xf32>,
        %get3A_356 = arith.index_cast %scan3A_329 : i32 to index
        %get3A_357 = arith.constant 48 : index
        %get3A_358 = tpu.vector_load %arg20[%get3A_356, %get3A_357] {strides = array<i32>} : memref<64x128xf32, #tpu.memory_space<vmem>>, vector<16xf32>,
        %mul3A_359 = arith.mulf %get3A_358, %gather3A_334 : vector<16xf32>
        %swap3A_360 = arith.index_cast %scan3A_329 : i32 to index
        %swap3A_361 = arith.constant 48 : index
        %swap3A_362 = tpu.vector_load %arg20[%swap3A_360, %swap3A_361] {strides = array<i32>} : memref<64x128xf32, #tpu.memory_space<vmem>>, vector<16xf32>,
        tpu.vector_store %arg20[%swap3A_360, %swap3A_361], %mul3A_359 {strides = array<i32>} : memref<64x128xf32, #tpu.memory_space<vmem>>, vector<16xf32>,
        %get3A_363 = arith.index_cast %scan3A_329 : i32 to index
        %get3A_364 = arith.constant 64 : index
        %get3A_365 = tpu.vector_load %arg20[%get3A_363, %get3A_364] {strides = array<i32>} : memref<64x128xf32, #tpu.memory_space<vmem>>, vector<16xf32>,
        %mul3A_366 = arith.mulf %get3A_365, %gather3A_334 : vector<16xf32>
        %swap3A_367 = arith.index_cast %scan3A_329 : i32 to index
        %swap3A_368 = arith.constant 64 : index
        %swap3A_369 = tpu.vector_load %arg20[%swap3A_367, %swap3A_368] {strides = array<i32>} : memref<64x128xf32, #tpu.memory_space<vmem>>, vector<16xf32>,
        tpu.vector_store %arg20[%swap3A_367, %swap3A_368], %mul3A_366 {strides = array<i32>} : memref<64x128xf32, #tpu.memory_space<vmem>>, vector<16xf32>,
        %get3A_370 = arith.index_cast %scan3A_329 : i32 to index
        %get3A_371 = arith.constant 80 : index
        %get3A_372 = tpu.vector_load %arg20[%get3A_370, %get3A_371] {strides = array<i32>} : memref<64x128xf32, #tpu.memory_space<vmem>>, vector<16xf32>,
        %mul3A_373 = arith.mulf %get3A_372, %gather3A_334 : vector<16xf32>
        %swap3A_374 = arith.index_cast %scan3A_329 : i32 to index
        %swap3A_375 = arith.constant 80 : index
        %swap3A_376 = tpu.vector_load %arg20[%swap3A_374, %swap3A_375] {strides = array<i32>} : memref<64x128xf32, #tpu.memory_space<vmem>>, vector<16xf32>,
        tpu.vector_store %arg20[%swap3A_374, %swap3A_375], %mul3A_373 {strides = array<i32>} : memref<64x128xf32, #tpu.memory_space<vmem>>, vector<16xf32>,
        %get3A_377 = arith.index_cast %scan3A_329 : i32 to index
        %get3A_378 = arith.constant 96 : index
        %get3A_379 = tpu.vector_load %arg20[%get3A_377, %get3A_378] {strides = array<i32>} : memref<64x128xf32, #tpu.memory_space<vmem>>, vector<16xf32>,
        %mul3A_380 = arith.mulf %get3A_379, %gather3A_334 : vector<16xf32>
        %swap3A_381 = arith.index_cast %scan3A_329 : i32 to index
        %swap3A_382 = arith.constant 96 : index
        %swap3A_383 = tpu.vector_load %arg20[%swap3A_381, %swap3A_382] {strides = array<i32>} : memref<64x128xf32, #tpu.memory_space<vmem>>, vector<16xf32>,
        tpu.vector_store %arg20[%swap3A_381, %swap3A_382], %mul3A_380 {strides = array<i32>} : memref<64x128xf32, #tpu.memory_space<vmem>>, vector<16xf32>,
        %get3A_384 = arith.index_cast %scan3A_329 : i32 to index
        %get3A_385 = arith.constant 112 : index
        %get3A_386 = tpu.vector_load %arg20[%get3A_384, %get3A_385] {strides = array<i32>} : memref<64x128xf32, #tpu.memory_space<vmem>>, vector<16xf32>,
        %mul3A_387 = arith.mulf %get3A_386, %gather3A_334 : vector<16xf32>
        %swap3A_388 = arith.index_cast %scan3A_329 : i32 to index
        %swap3A_389 = arith.constant 112 : index
        %swap3A_390 = tpu.vector_load %arg20[%swap3A_388, %swap3A_389] {strides = array<i32>} : memref<64x128xf32, #tpu.memory_space<vmem>>, vector<16xf32>,
        tpu.vector_store %arg20[%swap3A_388, %swap3A_389], %mul3A_387 {strides = array<i32>} : memref<64x128xf32, #tpu.memory_space<vmem>>, vector<16xf32>,
      }
      %scan3A_252 = arith.constant 64 : i32
      "tpu.region"() ({
        %run_scoped3A = tpu.sem_alloc : memref<!tpu.dma_semaphore, #tpu.memory_space<semaphore_mem>>
        %dma_start3A_266 = arith.constant 0 : i32
        %dma_start3A_267 = arith.constant 0 : i32
        %dma_start3A_268 = tpu.memref_slice %arg29[%dma_start3A_266, %dma_start3A_267] : memref<10240x128xf32, #tpu.memory_space<vmem_shared>> -> memref<10240x128xf32, #tpu.memory_space<vmem_shared>>
        tpu.enqueue_indirect_dma source(%arg20 : memref<64x128xf32, #tpu.memory_space<vmem>>) target(%dma_start3A_268 : memref<10240x128xf32, #tpu.memory_space<vmem_shared>>) offsets(%arg16 : memref<64xi32, #tpu.memory_space<vmem>>) semaphore(%run_scoped3A : memref<!tpu.dma_semaphore, #tpu.memory_space<semaphore_mem>>) {add = true}
        %dma_wait3A_269 = arith.constant 0 : i32
        %dma_wait3A_270 = arith.constant 0 : i32
        %dma_wait3A_271 = tpu.memref_slice %arg29[%dma_wait3A_269, %dma_wait3A_270] : memref<10240x128xf32, #tpu.memory_space<vmem_shared>> -> memref<10240x128xf32, #tpu.memory_space<vmem_shared>>
        tpu.wait_indirect_dma semaphore(%run_scoped3A : memref<!tpu.dma_semaphore, #tpu.memory_space<semaphore_mem>>) src(%arg20 : memref<64x128xf32, #tpu.memory_space<vmem>>) dst(%dma_wait3A_271 : memref<10240x128xf32, #tpu.memory_space<vmem_shared>>)
        tpu.yield
      }) : () -> ()
      %dma_wait3A_253 = arith.constant 0 : i32
      %dma_wait3A_254 = arith.constant 0 : i32
      %dma_wait3A_255 = tpu.memref_slice %arg8[%dma_wait3A_253, %dma_wait3A_254] : memref<10000x128xf32, #tpu.memory_space<hbm>> -> memref<10000x128xf32, #tpu.memory_space<hbm>>
      tpu.wait_indirect_dma semaphore(%arg25 : memref<!tpu.dma_semaphore, #tpu.memory_space<semaphore_mem>>) src(%dma_wait3A_255 : memref<10000x128xf32, #tpu.memory_space<hbm>>) dst(%arg21 : memref<64x128xf32, #tpu.memory_space<vmem>>)
      %scan3A_256 = arith.constant 0 : i32
      %scan3A_257 = arith.constant 0 : i32
      %scan3A_258 = arith.constant 64 : i32
      %scan3A_259 = arith.addi %scan3A_257, %scan3A_258 : i32
      %scan3A_260 = arith.constant 2 : i32
      scf.for %scan3A_266 = %scan3A_257 to %scan3A_259 step %scan3A_260  : i32 {
        %broadcast_in_dim3A_267 = arith.constant 0 : i32
        %broadcast_in_dim3A_268 = vector.broadcast %broadcast_in_dim3A_267 : i32 to vector<16xi32>
        %add3A_269 = vector.broadcast %scan3A_266 : i32 to vector<16xi32>
        %add3A_270 = arith.addi %broadcast_in_dim3A_268, %add3A_269 : vector<16xi32>
        %gather3A_271 = tpu.vector_load_idx %arg19[%add3A_270] : memref<64xf32, #tpu.memory_space<vmem>>[vector<16xi32>], vector<16xf32>,
        %get3A_272 = arith.index_cast %scan3A_266 : i32 to index
        %get3A_273 = arith.constant 0 : index
        %get3A_274 = tpu.vector_load %arg21[%get3A_272, %get3A_273] {strides = array<i32>} : memref<64x128xf32, #tpu.memory_space<vmem>>, vector<16xf32>,
        %mul3A_275 = arith.mulf %get3A_274, %gather3A_271 : vector<16xf32>
        %swap3A_276 = arith.index_cast %scan3A_266 : i32 to index
        %swap3A_277 = arith.constant 0 : index
        %swap3A_278 = tpu.vector_load %arg21[%swap3A_276, %swap3A_277] {strides = array<i32>} : memref<64x128xf32, #tpu.memory_space<vmem>>, vector<16xf32>,
        tpu.vector_store %arg21[%swap3A_276, %swap3A_277], %mul3A_275 {strides = array<i32>} : memref<64x128xf32, #tpu.memory_space<vmem>>, vector<16xf32>,
        %get3A_279 = arith.index_cast %scan3A_266 : i32 to index
        %get3A_280 = arith.constant 16 : index
        %get3A_281 = tpu.vector_load %arg21[%get3A_279, %get3A_280] {strides = array<i32>} : memref<64x128xf32, #tpu.memory_space<vmem>>, vector<16xf32>,
        %mul3A_282 = arith.mulf %get3A_281, %gather3A_271 : vector<16xf32>
        %swap3A_283 = arith.index_cast %scan3A_266 : i32 to index
        %swap3A_284 = arith.constant 16 : index
        %swap3A_285 = tpu.vector_load %arg21[%swap3A_283, %swap3A_284] {strides = array<i32>} : memref<64x128xf32, #tpu.memory_space<vmem>>, vector<16xf32>,
        tpu.vector_store %arg21[%swap3A_283, %swap3A_284], %mul3A_282 {strides = array<i32>} : memref<64x128xf32, #tpu.memory_space<vmem>>, vector<16xf32>,
        %get3A_286 = arith.index_cast %scan3A_266 : i32 to index
        %get3A_287 = arith.constant 32 : index
        %get3A_288 = tpu.vector_load %arg21[%get3A_286, %get3A_287] {strides = array<i32>} : memref<64x128xf32, #tpu.memory_space<vmem>>, vector<16xf32>,
        %mul3A_289 = arith.mulf %get3A_288, %gather3A_271 : vector<16xf32>
        %swap3A_290 = arith.index_cast %scan3A_266 : i32 to index
        %swap3A_291 = arith.constant 32 : index
        %swap3A_292 = tpu.vector_load %arg21[%swap3A_290, %swap3A_291] {strides = array<i32>} : memref<64x128xf32, #tpu.memory_space<vmem>>, vector<16xf32>,
        tpu.vector_store %arg21[%swap3A_290, %swap3A_291], %mul3A_289 {strides = array<i32>} : memref<64x128xf32, #tpu.memory_space<vmem>>, vector<16xf32>,
        %get3A_293 = arith.index_cast %scan3A_266 : i32 to index
        %get3A_294 = arith.constant 48 : index
        %get3A_295 = tpu.vector_load %arg21[%get3A_293, %get3A_294] {strides = array<i32>} : memref<64x128xf32, #tpu.memory_space<vmem>>, vector<16xf32>,
        %mul3A_296 = arith.mulf %get3A_295, %gather3A_271 : vector<16xf32>
        %swap3A_297 = arith.index_cast %scan3A_266 : i32 to index
        %swap3A_298 = arith.constant 48 : index
        %swap3A_299 = tpu.vector_load %arg21[%swap3A_297, %swap3A_298] {strides = array<i32>} : memref<64x128xf32, #tpu.memory_space<vmem>>, vector<16xf32>,
        tpu.vector_store %arg21[%swap3A_297, %swap3A_298], %mul3A_296 {strides = array<i32>} : memref<64x128xf32, #tpu.memory_space<vmem>>, vector<16xf32>,
        %get3A_300 = arith.index_cast %scan3A_266 : i32 to index
        %get3A_301 = arith.constant 64 : index
        %get3A_302 = tpu.vector_load %arg21[%get3A_300, %get3A_301] {strides = array<i32>} : memref<64x128xf32, #tpu.memory_space<vmem>>, vector<16xf32>,
        %mul3A_303 = arith.mulf %get3A_302, %gather3A_271 : vector<16xf32>
        %swap3A_304 = arith.index_cast %scan3A_266 : i32 to index
        %swap3A_305 = arith.constant 64 : index
        %swap3A_306 = tpu.vector_load %arg21[%swap3A_304, %swap3A_305] {strides = array<i32>} : memref<64x128xf32, #tpu.memory_space<vmem>>, vector<16xf32>,
        tpu.vector_store %arg21[%swap3A_304, %swap3A_305], %mul3A_303 {strides = array<i32>} : memref<64x128xf32, #tpu.memory_space<vmem>>, vector<16xf32>,
        %get3A_307 = arith.index_cast %scan3A_266 : i32 to index
        %get3A_308 = arith.constant 80 : index
        %get3A_309 = tpu.vector_load %arg21[%get3A_307, %get3A_308] {strides = array<i32>} : memref<64x128xf32, #tpu.memory_space<vmem>>, vector<16xf32>,
        %mul3A_310 = arith.mulf %get3A_309, %gather3A_271 : vector<16xf32>
        %swap3A_311 = arith.index_cast %scan3A_266 : i32 to index
        %swap3A_312 = arith.constant 80 : index
        %swap3A_313 = tpu.vector_load %arg21[%swap3A_311, %swap3A_312] {strides = array<i32>} : memref<64x128xf32, #tpu.memory_space<vmem>>, vector<16xf32>,
        tpu.vector_store %arg21[%swap3A_311, %swap3A_312], %mul3A_310 {strides = array<i32>} : memref<64x128xf32, #tpu.memory_space<vmem>>, vector<16xf32>,
        %get3A_314 = arith.index_cast %scan3A_266 : i32 to index
        %get3A_315 = arith.constant 96 : index
        %get3A_316 = tpu.vector_load %arg21[%get3A_314, %get3A_315] {strides = array<i32>} : memref<64x128xf32, #tpu.memory_space<vmem>>, vector<16xf32>,
        %mul3A_317 = arith.mulf %get3A_316, %gather3A_271 : vector<16xf32>
        %swap3A_318 = arith.index_cast %scan3A_266 : i32 to index
        %swap3A_319 = arith.constant 96 : index
        %swap3A_320 = tpu.vector_load %arg21[%swap3A_318, %swap3A_319] {strides = array<i32>} : memref<64x128xf32, #tpu.memory_space<vmem>>, vector<16xf32>,
        tpu.vector_store %arg21[%swap3A_318, %swap3A_319], %mul3A_317 {strides = array<i32>} : memref<64x128xf32, #tpu.memory_space<vmem>>, vector<16xf32>,
        %get3A_321 = arith.index_cast %scan3A_266 : i32 to index
        %get3A_322 = arith.constant 112 : index
        %get3A_323 = tpu.vector_load %arg21[%get3A_321, %get3A_322] {strides = array<i32>} : memref<64x128xf32, #tpu.memory_space<vmem>>, vector<16xf32>,
        %mul3A_324 = arith.mulf %get3A_323, %gather3A_271 : vector<16xf32>
        %swap3A_325 = arith.index_cast %scan3A_266 : i32 to index
        %swap3A_326 = arith.constant 112 : index
        %swap3A_327 = tpu.vector_load %arg21[%swap3A_325, %swap3A_326] {strides = array<i32>} : memref<64x128xf32, #tpu.memory_space<vmem>>, vector<16xf32>,
        tpu.vector_store %arg21[%swap3A_325, %swap3A_326], %mul3A_324 {strides = array<i32>} : memref<64x128xf32, #tpu.memory_space<vmem>>, vector<16xf32>,
        %scan3A_328 = arith.constant 1 : i32
        %scan3A_329 = arith.addi %scan3A_266, %scan3A_328 : i32
        %broadcast_in_dim3A_330 = arith.constant 0 : i32
        %broadcast_in_dim3A_331 = vector.broadcast %broadcast_in_dim3A_330 : i32 to vector<16xi32>
        %add3A_332 = vector.broadcast %scan3A_329 : i32 to vector<16xi32>
        %add3A_333 = arith.addi %broadcast_in_dim3A_331, %add3A_332 : vector<16xi32>
        %gather3A_334 = tpu.vector_load_idx %arg19[%add3A_333] : memref<64xf32, #tpu.memory_space<vmem>>[vector<16xi32>], vector<16xf32>,
        %get3A_335 = arith.index_cast %scan3A_329 : i32 to index
        %get3A_336 = arith.constant 0 : index
        %get3A_337 = tpu.vector_load %arg21[%get3A_335, %get3A_336] {strides = array<i32>} : memref<64x128xf32, #tpu.memory_space<vmem>>, vector<16xf32>,
        %mul3A_338 = arith.mulf %get3A_337, %gather3A_334 : vector<16xf32>
        %swap3A_339 = arith.index_cast %scan3A_329 : i32 to index
        %swap3A_340 = arith.constant 0 : index
        %swap3A_341 = tpu.vector_load %arg21[%swap3A_339, %swap3A_340] {strides = array<i32>} : memref<64x128xf32, #tpu.memory_space<vmem>>, vector<16xf32>,
        tpu.vector_store %arg21[%swap3A_339, %swap3A_340], %mul3A_338 {strides = array<i32>} : memref<64x128xf32, #tpu.memory_space<vmem>>, vector<16xf32>,
        %get3A_342 = arith.index_cast %scan3A_329 : i32 to index
        %get3A_343 = arith.constant 16 : index
        %get3A_344 = tpu.vector_load %arg21[%get3A_342, %get3A_343] {strides = array<i32>} : memref<64x128xf32, #tpu.memory_space<vmem>>, vector<16xf32>,
        %mul3A_345 = arith.mulf %get3A_344, %gather3A_334 : vector<16xf32>
        %swap3A_346 = arith.index_cast %scan3A_329 : i32 to index
        %swap3A_347 = arith.constant 16 : index
        %swap3A_348 = tpu.vector_load %arg21[%swap3A_346, %swap3A_347] {strides = array<i32>} : memref<64x128xf32, #tpu.memory_space<vmem>>, vector<16xf32>,
        tpu.vector_store %arg21[%swap3A_346, %swap3A_347], %mul3A_345 {strides = array<i32>} : memref<64x128xf32, #tpu.memory_space<vmem>>, vector<16xf32>,
        %get3A_349 = arith.index_cast %scan3A_329 : i32 to index
        %get3A_350 = arith.constant 32 : index
        %get3A_351 = tpu.vector_load %arg21[%get3A_349, %get3A_350] {strides = array<i32>} : memref<64x128xf32, #tpu.memory_space<vmem>>, vector<16xf32>,
        %mul3A_352 = arith.mulf %get3A_351, %gather3A_334 : vector<16xf32>
        %swap3A_353 = arith.index_cast %scan3A_329 : i32 to index
        %swap3A_354 = arith.constant 32 : index
        %swap3A_355 = tpu.vector_load %arg21[%swap3A_353, %swap3A_354] {strides = array<i32>} : memref<64x128xf32, #tpu.memory_space<vmem>>, vector<16xf32>,
        tpu.vector_store %arg21[%swap3A_353, %swap3A_354], %mul3A_352 {strides = array<i32>} : memref<64x128xf32, #tpu.memory_space<vmem>>, vector<16xf32>,
        %get3A_356 = arith.index_cast %scan3A_329 : i32 to index
        %get3A_357 = arith.constant 48 : index
        %get3A_358 = tpu.vector_load %arg21[%get3A_356, %get3A_357] {strides = array<i32>} : memref<64x128xf32, #tpu.memory_space<vmem>>, vector<16xf32>,
        %mul3A_359 = arith.mulf %get3A_358, %gather3A_334 : vector<16xf32>
        %swap3A_360 = arith.index_cast %scan3A_329 : i32 to index
        %swap3A_361 = arith.constant 48 : index
        %swap3A_362 = tpu.vector_load %arg21[%swap3A_360, %swap3A_361] {strides = array<i32>} : memref<64x128xf32, #tpu.memory_space<vmem>>, vector<16xf32>,
        tpu.vector_store %arg21[%swap3A_360, %swap3A_361], %mul3A_359 {strides = array<i32>} : memref<64x128xf32, #tpu.memory_space<vmem>>, vector<16xf32>,
        %get3A_363 = arith.index_cast %scan3A_329 : i32 to index
        %get3A_364 = arith.constant 64 : index
        %get3A_365 = tpu.vector_load %arg21[%get3A_363, %get3A_364] {strides = array<i32>} : memref<64x128xf32, #tpu.memory_space<vmem>>, vector<16xf32>,
        %mul3A_366 = arith.mulf %get3A_365, %gather3A_334 : vector<16xf32>
        %swap3A_367 = arith.index_cast %scan3A_329 : i32 to index
        %swap3A_368 = arith.constant 64 : index
        %swap3A_369 = tpu.vector_load %arg21[%swap3A_367, %swap3A_368] {strides = array<i32>} : memref<64x128xf32, #tpu.memory_space<vmem>>, vector<16xf32>,
        tpu.vector_store %arg21[%swap3A_367, %swap3A_368], %mul3A_366 {strides = array<i32>} : memref<64x128xf32, #tpu.memory_space<vmem>>, vector<16xf32>,
        %get3A_370 = arith.index_cast %scan3A_329 : i32 to index
        %get3A_371 = arith.constant 80 : index
        %get3A_372 = tpu.vector_load %arg21[%get3A_370, %get3A_371] {strides = array<i32>} : memref<64x128xf32, #tpu.memory_space<vmem>>, vector<16xf32>,
        %mul3A_373 = arith.mulf %get3A_372, %gather3A_334 : vector<16xf32>
        %swap3A_374 = arith.index_cast %scan3A_329 : i32 to index
        %swap3A_375 = arith.constant 80 : index
        %swap3A_376 = tpu.vector_load %arg21[%swap3A_374, %swap3A_375] {strides = array<i32>} : memref<64x128xf32, #tpu.memory_space<vmem>>, vector<16xf32>,
        tpu.vector_store %arg21[%swap3A_374, %swap3A_375], %mul3A_373 {strides = array<i32>} : memref<64x128xf32, #tpu.memory_space<vmem>>, vector<16xf32>,
        %get3A_377 = arith.index_cast %scan3A_329 : i32 to index
        %get3A_378 = arith.constant 96 : index
        %get3A_379 = tpu.vector_load %arg21[%get3A_377, %get3A_378] {strides = array<i32>} : memref<64x128xf32, #tpu.memory_space<vmem>>, vector<16xf32>,
        %mul3A_380 = arith.mulf %get3A_379, %gather3A_334 : vector<16xf32>
        %swap3A_381 = arith.index_cast %scan3A_329 : i32 to index
        %swap3A_382 = arith.constant 96 : index
        %swap3A_383 = tpu.vector_load %arg21[%swap3A_381, %swap3A_382] {strides = array<i32>} : memref<64x128xf32, #tpu.memory_space<vmem>>, vector<16xf32>,
        tpu.vector_store %arg21[%swap3A_381, %swap3A_382], %mul3A_380 {strides = array<i32>} : memref<64x128xf32, #tpu.memory_space<vmem>>, vector<16xf32>,
        %get3A_384 = arith.index_cast %scan3A_329 : i32 to index
        %get3A_385 = arith.constant 112 : index
        %get3A_386 = tpu.vector_load %arg21[%get3A_384, %get3A_385] {strides = array<i32>} : memref<64x128xf32, #tpu.memory_space<vmem>>, vector<16xf32>,
        %mul3A_387 = arith.mulf %get3A_386, %gather3A_334 : vector<16xf32>
        %swap3A_388 = arith.index_cast %scan3A_329 : i32 to index
        %swap3A_389 = arith.constant 112 : index
        %swap3A_390 = tpu.vector_load %arg21[%swap3A_388, %swap3A_389] {strides = array<i32>} : memref<64x128xf32, #tpu.memory_space<vmem>>, vector<16xf32>,
        tpu.vector_store %arg21[%swap3A_388, %swap3A_389], %mul3A_387 {strides = array<i32>} : memref<64x128xf32, #tpu.memory_space<vmem>>, vector<16xf32>,
      }
      %scan3A_261 = arith.constant 64 : i32
      "tpu.region"() ({
        %run_scoped3A = tpu.sem_alloc : memref<!tpu.dma_semaphore, #tpu.memory_space<semaphore_mem>>
        %dma_start3A_266 = arith.constant 0 : i32
        %dma_start3A_267 = arith.constant 0 : i32
        %dma_start3A_268 = tpu.memref_slice %arg29[%dma_start3A_266, %dma_start3A_267] : memref<10240x128xf32, #tpu.memory_space<vmem_shared>> -> memref<10240x128xf32, #tpu.memory_space<vmem_shared>>
        tpu.enqueue_indirect_dma source(%arg21 : memref<64x128xf32, #tpu.memory_space<vmem>>) target(%dma_start3A_268 : memref<10240x128xf32, #tpu.memory_space<vmem_shared>>) offsets(%arg17 : memref<64xi32, #tpu.memory_space<vmem>>) semaphore(%run_scoped3A : memref<!tpu.dma_semaphore, #tpu.memory_space<semaphore_mem>>) {add = true}
        %dma_wait3A_269 = arith.constant 0 : i32
        %dma_wait3A_270 = arith.constant 0 : i32
        %dma_wait3A_271 = tpu.memref_slice %arg29[%dma_wait3A_269, %dma_wait3A_270] : memref<10240x128xf32, #tpu.memory_space<vmem_shared>> -> memref<10240x128xf32, #tpu.memory_space<vmem_shared>>
        tpu.wait_indirect_dma semaphore(%run_scoped3A : memref<!tpu.dma_semaphore, #tpu.memory_space<semaphore_mem>>) src(%arg21 : memref<64x128xf32, #tpu.memory_space<vmem>>) dst(%dma_wait3A_271 : memref<10240x128xf32, #tpu.memory_space<vmem_shared>>)
        tpu.yield
      }) : () -> ()
      %dma_wait3A_262 = tpu.memref_slice %arg9[%add3A_26] : memref<163840xf32, #tpu.memory_space<hbm>> -> memref<64xf32, #tpu.memory_space<hbm>>
      %dma_wait3A_263 = tpu.memref_slice %arg9[%add3A_26] : memref<163840xf32, #tpu.memory_space<hbm>> -> memref<64xf32, #tpu.memory_space<hbm>>
      tpu.wait_dma2 semaphore(%arg26 : memref<!tpu.dma_semaphore, #tpu.memory_space<semaphore_mem>>) src(%arg18 : memref<64xf32, #tpu.memory_space<vmem>>) dst(%dma_wait3A_263 : memref<64xf32, #tpu.memory_space<hbm>>)
      %dma_wait3A_264 = tpu.memref_slice %arg9[%add3A_28] : memref<163840xf32, #tpu.memory_space<hbm>> -> memref<64xf32, #tpu.memory_space<hbm>>
      %dma_wait3A_265 = tpu.memref_slice %arg9[%add3A_28] : memref<163840xf32, #tpu.memory_space<hbm>> -> memref<64xf32, #tpu.memory_space<hbm>>
      tpu.wait_dma2 semaphore(%arg27 : memref<!tpu.dma_semaphore, #tpu.memory_space<semaphore_mem>>) src(%arg19 : memref<64xf32, #tpu.memory_space<vmem>>) dst(%dma_wait3A_265 : memref<64xf32, #tpu.memory_space<hbm>>)
    }
    %scan3A_9 = arith.constant 40 : i32
    %barrier3A_10 = arith.constant 0 : index
    tpu.barrier barrier_id(%barrier3A_10)
    %mul3A_11 = arith.constant 640 : i32
    %mul3A_12 = arith.muli %arg1, %mul3A_11 : i32
    %mul3A_13 = arith.constant 640 : i32
    %mul3A_14 = arith.muli %arg1, %mul3A_13 : i32
    "tpu.region"() ({
      %run_scoped3A = tpu.sem_alloc : memref<!tpu.dma_semaphore, #tpu.memory_space<semaphore_mem>>
      %dma_start3A = tpu.memref_slice %arg10[%arg0, %mul3A_14] : memref<2x10240xf32, #tpu.memory_space<hbm>> -> memref<1x640xf32, #tpu.memory_space<hbm>>
      %dma_start3A_19 = tpu.memref_squeeze %dma_start3A : memref<1x640xf32, #tpu.memory_space<hbm>> -> memref<640xf32, #tpu.memory_space<hbm>>
      %dma_start3A_20 = tpu.memref_slice %arg28[%mul3A_12] : memref<10240xf32, #tpu.memory_space<vmem_shared>> -> memref<640xf32, #tpu.memory_space<vmem_shared>>
      tpu.enqueue_dma source(%dma_start3A_20 : memref<640xf32, #tpu.memory_space<vmem_shared>>) target(%dma_start3A_19 : memref<640xf32, #tpu.memory_space<hbm>>) target_semaphore(%run_scoped3A : memref<!tpu.dma_semaphore, #tpu.memory_space<semaphore_mem>>)
      %dma_wait3A = tpu.memref_slice %arg10[%arg0, %mul3A_14] : memref<2x10240xf32, #tpu.memory_space<hbm>> -> memref<1x640xf32, #tpu.memory_space<hbm>>
      %dma_wait3A_21 = tpu.memref_squeeze %dma_wait3A : memref<1x640xf32, #tpu.memory_space<hbm>> -> memref<640xf32, #tpu.memory_space<hbm>>
      %dma_wait3A_22 = tpu.memref_slice %arg28[%mul3A_12] : memref<10240xf32, #tpu.memory_space<vmem_shared>> -> memref<640xf32, #tpu.memory_space<vmem_shared>>
      tpu.wait_dma2 semaphore(%run_scoped3A : memref<!tpu.dma_semaphore, #tpu.memory_space<semaphore_mem>>) src(%dma_wait3A_22 : memref<640xf32, #tpu.memory_space<vmem_shared>>) dst(%dma_wait3A_21 : memref<640xf32, #tpu.memory_space<hbm>>)
      tpu.yield
    }) : () -> ()
    %mul3A_15 = arith.constant 640 : i32
    %mul3A_16 = arith.muli %arg1, %mul3A_15 : i32
    %mul3A_17 = arith.constant 640 : i32
    %mul3A_18 = arith.muli %arg1, %mul3A_17 : i32
    "tpu.region"() ({
      %run_scoped3A = tpu.sem_alloc : memref<!tpu.dma_semaphore, #tpu.memory_space<semaphore_mem>>
      %dma_start3A = arith.constant 0 : i32
      %dma_start3A_19 = tpu.memref_slice %arg11[%arg0, %mul3A_18, %dma_start3A] : memref<2x10240x128xf32, #tpu.memory_space<hbm>> -> memref<1x640x128xf32, #tpu.memory_space<hbm>>
      %dma_start3A_20 = tpu.memref_squeeze %dma_start3A_19 : memref<1x640x128xf32, #tpu.memory_space<hbm>> -> memref<640x128xf32, #tpu.memory_space<hbm>>
      %dma_start3A_21 = arith.constant 0 : i32
      %dma_start3A_22 = tpu.memref_slice %arg29[%mul3A_16, %dma_start3A_21] : memref<10240x128xf32, #tpu.memory_space<vmem_shared>> -> memref<640x128xf32, #tpu.memory_space<vmem_shared>>
      tpu.enqueue_dma source(%dma_start3A_22 : memref<640x128xf32, #tpu.memory_space<vmem_shared>>) target(%dma_start3A_20 : memref<640x128xf32, #tpu.memory_space<hbm>>) target_semaphore(%run_scoped3A : memref<!tpu.dma_semaphore, #tpu.memory_space<semaphore_mem>>)
      %dma_wait3A = arith.constant 0 : i32
      %dma_wait3A_23 = tpu.memref_slice %arg11[%arg0, %mul3A_18, %dma_wait3A] : memref<2x10240x128xf32, #tpu.memory_space<hbm>> -> memref<1x640x128xf32, #tpu.memory_space<hbm>>
      %dma_wait3A_24 = tpu.memref_squeeze %dma_wait3A_23 : memref<1x640x128xf32, #tpu.memory_space<hbm>> -> memref<640x128xf32, #tpu.memory_space<hbm>>
      %dma_wait3A_25 = arith.constant 0 : i32
      %dma_wait3A_26 = tpu.memref_slice %arg29[%mul3A_16, %dma_wait3A_25] : memref<10240x128xf32, #tpu.memory_space<vmem_shared>> -> memref<640x128xf32, #tpu.memory_space<vmem_shared>>
      tpu.wait_dma2 semaphore(%run_scoped3A : memref<!tpu.dma_semaphore, #tpu.memory_space<semaphore_mem>>) src(%dma_wait3A_26 : memref<640x128xf32, #tpu.memory_space<vmem_shared>>) dst(%dma_wait3A_24 : memref<640x128xf32, #tpu.memory_space<hbm>>)
      tpu.yield
    }) : () -> ()
    return
  }
}

module attributes {stable_mosaic.version = 14 : i64} {
  func.func @_tc1_body(%arg0: i32, %arg1: memref<200x256xf32, #tpu.memory_space<vmem>>, %arg2: memref<256x128xf32, #tpu.memory_space<vmem>>, %arg3: memref<1x128xf32, #tpu.memory_space<vmem>>, %arg4: memref<1x128xf32, #tpu.memory_space<vmem>>, %arg5: memref<200x128xf32, #tpu.memory_space<vmem>>, %arg6: memref<1x1x200xf32, #tpu.memory_space<vmem>>, %arg7: memref<1x1x200xf32, #tpu.memory_space<vmem>>) attributes {dimension_semantics = [#tpu.dimension_semantics<arbitrary>], iteration_bounds = array<i64: 50>, scalar_prefetch = 0 : i64, scratch_operands = 0 : i64, tpu.core_type = #tpu.core_type<tc>, window_params = [{transform_indices = @transform_0, window_bounds = array<i64: 200, 256>}, {pipeline_mode = #tpu.pipeline_mode<synchronous>, transform_indices = @transform_1, window_bounds = array<i64: 256, 128>}, {pipeline_mode = #tpu.pipeline_mode<synchronous>, transform_indices = @transform_2, window_bounds = array<i64: 1, 128>}, {pipeline_mode = #tpu.pipeline_mode<synchronous>, transform_indices = @transform_3, window_bounds = array<i64: 1, 128>}, {transform_indices = @transform_4, window_bounds = array<i64: 200, 128>}, {transform_indices = @transform_5, window_bounds = array<i64: 1, 1, 200>}, {transform_indices = @transform_6, window_bounds = array<i64: 1, 1, 200>}]} {
    %get3A = arith.constant 0 : index
    %get3A_0 = arith.constant 0 : index
    %get3A_1 = vector.load %arg1[%get3A, %get3A_0] : memref<200x256xf32, #tpu.memory_space<vmem>>, vector<200x256xf32>
    %get3A_2 = arith.constant 0 : index
    %get3A_3 = arith.constant 0 : index
    %get3A_4 = vector.load %arg2[%get3A_2, %get3A_3] : memref<256x128xf32, #tpu.memory_space<vmem>>, vector<256x128xf32>
    %dot_general3A = arith.constant dense<0.000000e+00> : vector<200x128xf32>
    %dot_general3A_5 = tpu.matmul %get3A_1, %get3A_4, %dot_general3A {dimension_numbers = #tpu.dot_dimension_numbers<[1], [0], [0], [1], [0, 0, 1, 1], [], []>, transpose_lhs_hint = false} : vector<200x256xf32>, vector<256x128xf32>, vector<200x128xf32> -> vector<200x128xf32>
    %swap3A = arith.constant 0 : index
    %swap3A_6 = arith.constant 0 : index
    %swap3A_7 = vector.load %arg5[%swap3A, %swap3A_6] : memref<200x128xf32, #tpu.memory_space<vmem>>, vector<200x128xf32>
    tpu.vector_store %arg5[%swap3A, %swap3A_6], %dot_general3A_5 {strides = array<i32>} : memref<200x128xf32, #tpu.memory_space<vmem>>, vector<200x128xf32>,
    %get3A_8 = arith.constant 0 : index
    %get3A_9 = arith.constant 0 : index
    %get3A_10 = vector.load %arg3[%get3A_8, %get3A_9] : memref<1x128xf32, #tpu.memory_space<vmem>>, vector<1x128xf32>
    %mul3A = vector.broadcast %get3A_10 : vector<1x128xf32> to vector<200x128xf32>
    %mul3A_11 = arith.mulf %dot_general3A_5, %mul3A : vector<200x128xf32>
    %reduce_sum3A = arith.constant dense<0.000000e+00> : vector<200xf32>
    %reduce_sum3A_12 = vector.multi_reduction <add>, %mul3A_11, %reduce_sum3A [1] : vector<200x128xf32> to vector<200xf32>
    %broadcast_in_dim3A = vector.shape_cast %reduce_sum3A_12 : vector<200xf32> to vector<1x1x200xf32>
    %swap3A_13 = arith.constant 0 : index
    %swap3A_14 = arith.constant 0 : index
    %swap3A_15 = arith.constant 0 : index
    %swap3A_16 = vector.load %arg6[%swap3A_13, %swap3A_14, %swap3A_15] : memref<1x1x200xf32, #tpu.memory_space<vmem>>, vector<1x1x200xf32>
    tpu.vector_store %arg6[%swap3A_13, %swap3A_14, %swap3A_15], %broadcast_in_dim3A {strides = array<i32>} : memref<1x1x200xf32, #tpu.memory_space<vmem>>, vector<1x1x200xf32>,
    %get3A_17 = arith.constant 0 : index
    %get3A_18 = arith.constant 0 : index
    %get3A_19 = vector.load %arg4[%get3A_17, %get3A_18] : memref<1x128xf32, #tpu.memory_space<vmem>>, vector<1x128xf32>
    %mul3A_20 = vector.broadcast %get3A_19 : vector<1x128xf32> to vector<200x128xf32>
    %mul3A_21 = arith.mulf %dot_general3A_5, %mul3A_20 : vector<200x128xf32>
    %reduce_sum3A_22 = arith.constant dense<0.000000e+00> : vector<200xf32>
    %reduce_sum3A_23 = vector.multi_reduction <add>, %mul3A_21, %reduce_sum3A_22 [1] : vector<200x128xf32> to vector<200xf32>
    %broadcast_in_dim3A_24 = vector.shape_cast %reduce_sum3A_23 : vector<200xf32> to vector<1x1x200xf32>
    %swap3A_25 = arith.constant 0 : index
    %swap3A_26 = arith.constant 0 : index
    %swap3A_27 = arith.constant 0 : index
    %swap3A_28 = vector.load %arg7[%swap3A_25, %swap3A_26, %swap3A_27] : memref<1x1x200xf32, #tpu.memory_space<vmem>>, vector<1x1x200xf32>
    tpu.vector_store %arg7[%swap3A_25, %swap3A_26, %swap3A_27], %broadcast_in_dim3A_24 {strides = array<i32>} : memref<1x1x200xf32, #tpu.memory_space<vmem>>, vector<1x1x200xf32>,
    return
  }
  func.func @transform_0(%arg0: i32) -> (i32, i32) {
    %c0_i32 = arith.constant 0 : i32
    %c0_i32_0 = arith.constant 0 : i32
    return %arg0, %c0_i32 : i32, i32
  }
  func.func @transform_1(%arg0: i32) -> (i32, i32) {
    %c0_i32 = arith.constant 0 : i32
    %c0_i32_0 = arith.constant 0 : i32
    %c0_i32_1 = arith.constant 0 : i32
    return %c0_i32, %c0_i32_0 : i32, i32
  }
  func.func @transform_2(%arg0: i32) -> (i32, i32) {
    %c0_i32 = arith.constant 0 : i32
    %c0_i32_0 = arith.constant 0 : i32
    %c0_i32_1 = arith.constant 0 : i32
    return %c0_i32, %c0_i32_0 : i32, i32
  }
  func.func @transform_3(%arg0: i32) -> (i32, i32) {
    %c0_i32 = arith.constant 0 : i32
    %c0_i32_0 = arith.constant 0 : i32
    %c0_i32_1 = arith.constant 0 : i32
    return %c0_i32, %c0_i32_0 : i32, i32
  }
  func.func @transform_4(%arg0: i32) -> (i32, i32) {
    %c0_i32 = arith.constant 0 : i32
    %c0_i32_0 = arith.constant 0 : i32
    return %arg0, %c0_i32 : i32, i32
  }
  func.func @transform_5(%arg0: i32) -> (i32, i32, i32) {
    %c0_i32 = arith.constant 0 : i32
    %c0_i32_0 = arith.constant 0 : i32
    %c0_i32_1 = arith.constant 0 : i32
    return %arg0, %c0_i32, %c0_i32_0 : i32, i32, i32
  }
  func.func @transform_6(%arg0: i32) -> (i32, i32, i32) {
    %c0_i32 = arith.constant 0 : i32
    %c0_i32_0 = arith.constant 0 : i32
    %c0_i32_1 = arith.constant 0 : i32
    return %arg0, %c0_i32, %c0_i32_0 : i32, i32, i32
  }
}

module attributes {stable_mosaic.version = 14 : i64} {
  func.func @_tc2_body(%arg0: i32, %arg1: memref<2x128x128xf32, #tpu.memory_space<vmem>>, %arg2: memref<128x1xf32, #tpu.memory_space<vmem>>, %arg3: memref<128x1xf32, #tpu.memory_space<vmem>>, %arg4: memref<128x32xf32, #tpu.memory_space<vmem>>, %arg5: memref<10x32xf32, #tpu.memory_space<vmem>>, %arg6: memref<128x32xf32, #tpu.memory_space<vmem>>, %arg7: memref<128x10xf32, #tpu.memory_space<vmem>>) attributes {dimension_semantics = [#tpu.dimension_semantics<arbitrary>], iteration_bounds = array<i64: 80>, scalar_prefetch = 0 : i64, scratch_operands = 0 : i64, tpu.core_type = #tpu.core_type<tc>, window_params = [{transform_indices = @transform_0, window_bounds = array<i64: 2, 128, 128>}, {transform_indices = @transform_1, window_bounds = array<i64: 128, 1>}, {transform_indices = @transform_2, window_bounds = array<i64: 128, 1>}, {pipeline_mode = #tpu.pipeline_mode<synchronous>, transform_indices = @transform_3, window_bounds = array<i64: 128, 32>}, {pipeline_mode = #tpu.pipeline_mode<synchronous>, transform_indices = @transform_4, window_bounds = array<i64: 10, 32>}, {transform_indices = @transform_5, window_bounds = array<i64: 128, 32>}, {transform_indices = @transform_6, window_bounds = array<i64: 128, 10>}]} {
    %get3A = arith.constant 0 : index
    %get3A_0 = arith.constant 0 : index
    %get3A_1 = vector.load %arg2[%get3A, %get3A_0] : memref<128x1xf32, #tpu.memory_space<vmem>>, vector<128x1xf32>
    %get3A_2 = arith.constant 0 : index
    %get3A_3 = arith.constant 0 : index
    %get3A_4 = vector.load %arg3[%get3A_2, %get3A_3] : memref<128x1xf32, #tpu.memory_space<vmem>>, vector<128x1xf32>
    %add3A = arith.addf %get3A_1, %get3A_4 : vector<128x1xf32>
    %add3A_5 = arith.constant 1.000000e-16 : f32
    %add3A_6 = vector.broadcast %add3A_5 : f32 to vector<128x1xf32>
    %add3A_7 = arith.addf %add3A, %add3A_6 : vector<128x1xf32>
    %get3A_8 = arith.constant 0 : index
    %get3A_9 = arith.constant 0 : index
    %get3A_10 = arith.constant 0 : index
    %get3A_11 = vector.load %arg1[%get3A_8, %get3A_9, %get3A_10] : memref<2x128x128xf32, #tpu.memory_space<vmem>>, vector<1x128x128xf32>
    %get3A_12 = vector.shape_cast %get3A_11 : vector<1x128x128xf32> to vector<128x128xf32>
    %get3A_13 = arith.constant 1 : index
    %get3A_14 = arith.constant 0 : index
    %get3A_15 = arith.constant 0 : index
    %get3A_16 = vector.load %arg1[%get3A_13, %get3A_14, %get3A_15] : memref<2x128x128xf32, #tpu.memory_space<vmem>>, vector<1x128x128xf32>
    %get3A_17 = vector.shape_cast %get3A_16 : vector<1x128x128xf32> to vector<128x128xf32>
    %add3A_18 = arith.addf %get3A_12, %get3A_17 : vector<128x128xf32>
    %div3A = vector.broadcast %add3A_7 : vector<128x1xf32> to vector<128x128xf32>
    %div3A_19 = arith.divf %add3A_18, %div3A : vector<128x128xf32>
    %gt3A = arith.constant 0.000000e+00 : f32
    %gt3A_20 = vector.broadcast %gt3A : f32 to vector<128x128xf32>
    %gt3A_21 = arith.cmpf ogt, %div3A_19, %gt3A_20 : vector<128x128xf32>
    %min3A = arith.constant 0.000000e+00 : f32
    %min3A_22 = vector.broadcast %min3A : f32 to vector<128x128xf32>
    %min3A_23 = arith.minimumf %div3A_19, %min3A_22 : vector<128x128xf32>
    %exp3A = math.exp %min3A_23 : vector<128x128xf32>
    %sub3A = arith.constant 1.000000e+00 : f32
    %sub3A_24 = vector.broadcast %sub3A : f32 to vector<128x128xf32>
    %sub3A_25 = arith.subf %exp3A, %sub3A_24 : vector<128x128xf32>
    %select_n3A = arith.select %gt3A_21, %div3A_19, %sub3A_25 : vector<128x128xi1>, vector<128x128xf32>
    %get3A_26 = arith.constant 0 : index
    %get3A_27 = arith.constant 0 : index
    %get3A_28 = vector.load %arg4[%get3A_26, %get3A_27] : memref<128x32xf32, #tpu.memory_space<vmem>>, vector<128x32xf32>
    %dot_general3A = arith.constant dense<0.000000e+00> : vector<128x32xf32>
    %dot_general3A_29 = tpu.matmul %select_n3A, %get3A_28, %dot_general3A {dimension_numbers = #tpu.dot_dimension_numbers<[1], [0], [0], [1], [0, 0, 1, 1], [], []>, transpose_lhs_hint = false} : vector<128x128xf32>, vector<128x32xf32>, vector<128x32xf32> -> vector<128x32xf32>
    %swap3A = arith.constant 0 : index
    %swap3A_30 = arith.constant 0 : index
    %swap3A_31 = vector.load %arg6[%swap3A, %swap3A_30] : memref<128x32xf32, #tpu.memory_space<vmem>>, vector<128x32xf32>
    tpu.vector_store %arg6[%swap3A, %swap3A_30], %dot_general3A_29 {strides = array<i32>} : memref<128x32xf32, #tpu.memory_space<vmem>>, vector<128x32xf32>,
    %get3A_32 = arith.constant 0 : index
    %get3A_33 = arith.constant 0 : index
    %get3A_34 = vector.load %arg5[%get3A_32, %get3A_33] : memref<10x32xf32, #tpu.memory_space<vmem>>, vector<10x32xf32>
    %dot_general3A_35 = arith.constant dense<0.000000e+00> : vector<128x10xf32>
    %dot_general3A_36 = tpu.matmul %dot_general3A_29, %get3A_34, %dot_general3A_35 {dimension_numbers = #tpu.dot_dimension_numbers<[1], [1], [0], [0], [0, 0, 1, 0], [], []>, transpose_lhs_hint = false} : vector<128x32xf32>, vector<10x32xf32>, vector<128x10xf32> -> vector<128x10xf32>
    %mul3A = arith.mulf %dot_general3A_29, %dot_general3A_29 : vector<128x32xf32>
    %reduce_sum3A = arith.constant dense<0.000000e+00> : vector<128xf32>
    %reduce_sum3A_37 = vector.multi_reduction <add>, %mul3A, %reduce_sum3A [1] : vector<128x32xf32> to vector<128xf32>
    %broadcast_in_dim3A = vector.shape_cast %reduce_sum3A_37 : vector<128xf32> to vector<128x1xf32>
    %mul3A_38 = arith.mulf %get3A_34, %get3A_34 : vector<10x32xf32>
    %reduce_sum3A_39 = arith.constant dense<0.000000e+00> : vector<10xf32>
    %reduce_sum3A_40 = vector.multi_reduction <add>, %mul3A_38, %reduce_sum3A_39 [1] : vector<10x32xf32> to vector<10xf32>
    %broadcast_in_dim3A_41 = vector.shape_cast %reduce_sum3A_40 : vector<10xf32> to vector<1x10xf32>
    %mul3A_42 = arith.constant 2.000000e+00 : f32
    %mul3A_43 = vector.broadcast %mul3A_42 : f32 to vector<128x10xf32>
    %mul3A_44 = arith.mulf %mul3A_43, %dot_general3A_36 : vector<128x10xf32>
    %sub3A_45 = vector.broadcast %broadcast_in_dim3A : vector<128x1xf32> to vector<128x10xf32>
    %sub3A_46 = arith.subf %sub3A_45, %mul3A_44 : vector<128x10xf32>
    %add3A_47 = vector.broadcast %broadcast_in_dim3A_41 : vector<1x10xf32> to vector<128x10xf32>
    %add3A_48 = arith.addf %sub3A_46, %add3A_47 : vector<128x10xf32>
    %add3A_49 = arith.constant 1.000000e+00 : f32
    %add3A_50 = vector.broadcast %add3A_49 : f32 to vector<128x10xf32>
    %add3A_51 = arith.addf %add3A_50, %add3A_48 : vector<128x10xf32>
    %add3A_52 = arith.constant 9.99999997E-7 : f32
    %add3A_53 = vector.broadcast %add3A_52 : f32 to vector<128x10xf32>
    %add3A_54 = arith.addf %add3A_51, %add3A_53 : vector<128x10xf32>
    %div3A_55 = arith.constant 1.000000e+00 : f32
    %div3A_56 = vector.broadcast %div3A_55 : f32 to vector<128x10xf32>
    %div3A_57 = arith.divf %div3A_56, %add3A_54 : vector<128x10xf32>
    %reduce_sum3A_58 = arith.constant dense<0.000000e+00> : vector<128xf32>
    %reduce_sum3A_59 = vector.multi_reduction <add>, %div3A_57, %reduce_sum3A_58 [1] : vector<128x10xf32> to vector<128xf32>
    %broadcast_in_dim3A_60 = vector.shape_cast %reduce_sum3A_59 : vector<128xf32> to vector<128x1xf32>
    %div3A_61 = vector.broadcast %broadcast_in_dim3A_60 : vector<128x1xf32> to vector<128x10xf32>
    %div3A_62 = arith.divf %div3A_57, %div3A_61 : vector<128x10xf32>
    %swap3A_63 = arith.constant 0 : index
    %swap3A_64 = arith.constant 0 : index
    %swap3A_65 = vector.load %arg7[%swap3A_63, %swap3A_64] : memref<128x10xf32, #tpu.memory_space<vmem>>, vector<128x10xf32>
    tpu.vector_store %arg7[%swap3A_63, %swap3A_64], %div3A_62 {strides = array<i32>} : memref<128x10xf32, #tpu.memory_space<vmem>>, vector<128x10xf32>,
    return
  }
  func.func @transform_0(%arg0: i32) -> (i32, i32, i32) {
    %c0_i32 = arith.constant 0 : i32
    %c0_i32_0 = arith.constant 0 : i32
    %c0_i32_1 = arith.constant 0 : i32
    return %c0_i32, %arg0, %c0_i32_0 : i32, i32, i32
  }
  func.func @transform_1(%arg0: i32) -> (i32, i32) {
    %c0_i32 = arith.constant 0 : i32
    %c0_i32_0 = arith.constant 0 : i32
    return %arg0, %c0_i32 : i32, i32
  }
  func.func @transform_2(%arg0: i32) -> (i32, i32) {
    %c0_i32 = arith.constant 0 : i32
    %c0_i32_0 = arith.constant 0 : i32
    return %arg0, %c0_i32 : i32, i32
  }
  func.func @transform_3(%arg0: i32) -> (i32, i32) {
    %c0_i32 = arith.constant 0 : i32
    %c0_i32_0 = arith.constant 0 : i32
    %c0_i32_1 = arith.constant 0 : i32
    return %c0_i32, %c0_i32_0 : i32, i32
  }
  func.func @transform_4(%arg0: i32) -> (i32, i32) {
    %c0_i32 = arith.constant 0 : i32
    %c0_i32_0 = arith.constant 0 : i32
    %c0_i32_1 = arith.constant 0 : i32
    return %c0_i32, %c0_i32_0 : i32, i32
  }
  func.func @transform_5(%arg0: i32) -> (i32, i32) {
    %c0_i32 = arith.constant 0 : i32
    %c0_i32_0 = arith.constant 0 : i32
    return %arg0, %c0_i32 : i32, i32
  }
  func.func @transform_6(%arg0: i32) -> (i32, i32) {
    %c0_i32 = arith.constant 0 : i32
    %c0_i32_0 = arith.constant 0 : i32
    return %arg0, %c0_i32 : i32, i32
  }
}

module attributes {stable_mosaic.version = 14 : i64} {
  func.func @_tc3_body(%arg0: i32, %arg1: memref<2x128x32xf32, #tpu.memory_space<vmem>>, %arg2: memref<128x1xf32, #tpu.memory_space<vmem>>, %arg3: memref<128x1xf32, #tpu.memory_space<vmem>>, %arg4: memref<128x32xf32, #tpu.memory_space<vmem>>, %arg5: memref<256x128xf32, #tpu.memory_space<vmem>>, %arg6: memref<128x256xf32, #tpu.memory_space<vmem>>) attributes {dimension_semantics = [#tpu.dimension_semantics<arbitrary>], iteration_bounds = array<i64: 80>, scalar_prefetch = 0 : i64, scratch_operands = 0 : i64, tpu.core_type = #tpu.core_type<tc>, window_params = [{transform_indices = @transform_0, window_bounds = array<i64: 2, 128, 32>}, {transform_indices = @transform_1, window_bounds = array<i64: 128, 1>}, {transform_indices = @transform_2, window_bounds = array<i64: 128, 1>}, {pipeline_mode = #tpu.pipeline_mode<synchronous>, transform_indices = @transform_3, window_bounds = array<i64: 128, 32>}, {pipeline_mode = #tpu.pipeline_mode<synchronous>, transform_indices = @transform_4, window_bounds = array<i64: 256, 128>}, {transform_indices = @transform_5, window_bounds = array<i64: 128, 256>}]} {
    %get3A = arith.constant 0 : index
    %get3A_0 = arith.constant 0 : index
    %get3A_1 = vector.load %arg2[%get3A, %get3A_0] : memref<128x1xf32, #tpu.memory_space<vmem>>, vector<128x1xf32>
    %get3A_2 = arith.constant 0 : index
    %get3A_3 = arith.constant 0 : index
    %get3A_4 = vector.load %arg3[%get3A_2, %get3A_3] : memref<128x1xf32, #tpu.memory_space<vmem>>, vector<128x1xf32>
    %add3A = arith.addf %get3A_1, %get3A_4 : vector<128x1xf32>
    %add3A_5 = arith.constant 1.000000e-16 : f32
    %add3A_6 = vector.broadcast %add3A_5 : f32 to vector<128x1xf32>
    %add3A_7 = arith.addf %add3A, %add3A_6 : vector<128x1xf32>
    %get3A_8 = arith.constant 0 : index
    %get3A_9 = arith.constant 0 : index
    %get3A_10 = arith.constant 0 : index
    %get3A_11 = vector.load %arg1[%get3A_8, %get3A_9, %get3A_10] : memref<2x128x32xf32, #tpu.memory_space<vmem>>, vector<1x128x32xf32>
    %get3A_12 = vector.shape_cast %get3A_11 : vector<1x128x32xf32> to vector<128x32xf32>
    %get3A_13 = arith.constant 1 : index
    %get3A_14 = arith.constant 0 : index
    %get3A_15 = arith.constant 0 : index
    %get3A_16 = vector.load %arg1[%get3A_13, %get3A_14, %get3A_15] : memref<2x128x32xf32, #tpu.memory_space<vmem>>, vector<1x128x32xf32>
    %get3A_17 = vector.shape_cast %get3A_16 : vector<1x128x32xf32> to vector<128x32xf32>
    %add3A_18 = arith.addf %get3A_12, %get3A_17 : vector<128x32xf32>
    %div3A = vector.broadcast %add3A_7 : vector<128x1xf32> to vector<128x32xf32>
    %div3A_19 = arith.divf %add3A_18, %div3A : vector<128x32xf32>
    %get3A_20 = arith.constant 0 : index
    %get3A_21 = arith.constant 0 : index
    %get3A_22 = vector.load %arg4[%get3A_20, %get3A_21] : memref<128x32xf32, #tpu.memory_space<vmem>>, vector<128x32xf32>
    %dot_general3A = arith.constant dense<0.000000e+00> : vector<128x128xf32>
    %dot_general3A_23 = tpu.matmul %div3A_19, %get3A_22, %dot_general3A {dimension_numbers = #tpu.dot_dimension_numbers<[1], [1], [0], [0], [0, 0, 1, 0], [], []>, transpose_lhs_hint = false} : vector<128x32xf32>, vector<128x32xf32>, vector<128x128xf32> -> vector<128x128xf32>
    %gt3A = arith.constant 0.000000e+00 : f32
    %gt3A_24 = vector.broadcast %gt3A : f32 to vector<128x128xf32>
    %gt3A_25 = arith.cmpf ogt, %dot_general3A_23, %gt3A_24 : vector<128x128xf32>
    %min3A = arith.constant 0.000000e+00 : f32
    %min3A_26 = vector.broadcast %min3A : f32 to vector<128x128xf32>
    %min3A_27 = arith.minimumf %dot_general3A_23, %min3A_26 : vector<128x128xf32>
    %exp3A = math.exp %min3A_27 : vector<128x128xf32>
    %sub3A = arith.constant 1.000000e+00 : f32
    %sub3A_28 = vector.broadcast %sub3A : f32 to vector<128x128xf32>
    %sub3A_29 = arith.subf %exp3A, %sub3A_28 : vector<128x128xf32>
    %select_n3A = arith.select %gt3A_25, %dot_general3A_23, %sub3A_29 : vector<128x128xi1>, vector<128x128xf32>
    %get3A_30 = arith.constant 0 : index
    %get3A_31 = arith.constant 0 : index
    %get3A_32 = vector.load %arg5[%get3A_30, %get3A_31] : memref<256x128xf32, #tpu.memory_space<vmem>>, vector<256x128xf32>
    %dot_general3A_33 = arith.constant dense<0.000000e+00> : vector<128x256xf32>
    %dot_general3A_34 = tpu.matmul %select_n3A, %get3A_32, %dot_general3A_33 {dimension_numbers = #tpu.dot_dimension_numbers<[1], [1], [0], [0], [0, 0, 1, 0], [], []>, transpose_lhs_hint = false} : vector<128x128xf32>, vector<256x128xf32>, vector<128x256xf32> -> vector<128x256xf32>
    %swap3A = arith.constant 0 : index
    %swap3A_35 = arith.constant 0 : index
    %swap3A_36 = vector.load %arg6[%swap3A, %swap3A_35] : memref<128x256xf32, #tpu.memory_space<vmem>>, vector<128x256xf32>
    tpu.vector_store %arg6[%swap3A, %swap3A_35], %dot_general3A_34 {strides = array<i32>} : memref<128x256xf32, #tpu.memory_space<vmem>>, vector<128x256xf32>,
    return
  }
  func.func @transform_0(%arg0: i32) -> (i32, i32, i32) {
    %c0_i32 = arith.constant 0 : i32
    %c0_i32_0 = arith.constant 0 : i32
    %c0_i32_1 = arith.constant 0 : i32
    return %c0_i32, %arg0, %c0_i32_0 : i32, i32, i32
  }
  func.func @transform_1(%arg0: i32) -> (i32, i32) {
    %c0_i32 = arith.constant 0 : i32
    %c0_i32_0 = arith.constant 0 : i32
    return %arg0, %c0_i32 : i32, i32
  }
  func.func @transform_2(%arg0: i32) -> (i32, i32) {
    %c0_i32 = arith.constant 0 : i32
    %c0_i32_0 = arith.constant 0 : i32
    return %arg0, %c0_i32 : i32, i32
  }
  func.func @transform_3(%arg0: i32) -> (i32, i32) {
    %c0_i32 = arith.constant 0 : i32
    %c0_i32_0 = arith.constant 0 : i32
    %c0_i32_1 = arith.constant 0 : i32
    return %c0_i32, %c0_i32_0 : i32, i32
  }
  func.func @transform_4(%arg0: i32) -> (i32, i32) {
    %c0_i32 = arith.constant 0 : i32
    %c0_i32_0 = arith.constant 0 : i32
    %c0_i32_1 = arith.constant 0 : i32
    return %c0_i32, %c0_i32_0 : i32, i32
  }
  func.func @transform_5(%arg0: i32) -> (i32, i32) {
    %c0_i32 = arith.constant 0 : i32
    %c0_i32_0 = arith.constant 0 : i32
    return %arg0, %c0_i32 : i32, i32
  }
}

</mosaic_0001>

<sc_bundles>
// kernel: kernel.10.cloned.1.call-start
scs
__scs_entry_jumppad:
0x0: {  	(pc) =	sbr.rel $0x88, $3  }
0x1: {  	(tag) =	ssettag $0x0;
	lr =	simm.s32 $0x1  }
0x2: {  	[smem:$0x3F9A] =	sst lr;
	_ =	strace $0xD0000000  }
0x3: {  	_ = 	snop  }
0x4: {  	_ = 	snop  }
0x5: {  	_ = 	snop  }
0x6: {  	_ = 	snop  }
0x7: {  	_ = 	snop  }
__scs_overlays_trampoline_lowered:
0x8: {  	[smem:$0x3FA9] =	sst s0  }
0x9: {  	[smem:$0x3FAA] =	sst s1  }
0xa: {  	[smem:$0x3FAB] =	sst s2  }
0xb: {  	[smem:$0x3FAC] =	sst s3  }
0xc: {  	[smem:$0x3FAD] =	sst s4  }
0xd: {  	[smem:$0x3FAE] =	sst s5  }
0xe: {  	[smem:$0x3FAF] =	sst s6  }
0xf: {  	[smem:$0x3FB0] =	sst s7  }
0x10: {  	[smem:$0x3FB1] =	sst s8  }
0x11: {  	[smem:$0x3FB2] =	sst s9;
	s0 =	simm.s32 @!p0 $0x0  }
0x12: {  	s1 =	sld [smem:$0x3F98];
	s0 =	simm.s32 @p0 $0x1  }
0x13: {  	[smem:$0x3FB3] =	sst s0;
	s0 =	simm.s32 @!p1 $0x0  }
0x14: {  	s2 =	sld [smem:$0x3F97];
	s0 =	simm.s32 @p1 $0x1  }
0x15: {  	[smem:$0x3FB4] =	sst s0;
	s0 =	simm.s32 @!p2 $0x0  }
0x16: {  	s3 =	sld [smem:$0x3FDB];
	s0 =	simm.s32 @p2 $0x1  }
0x17: {  	s4 =	simm.s32 $0x1BF5;
	[smem:$0x3FB6] =	sst s0  }
0x18: {  	s0 =	sld [smem:$0x3F99];
	_ =	swait.ge [sflag:s4], $0x0  }
0x19: {  	s7 =	sld [smem:$0x3F9A]  }
0x1a: {  	s8 =	sadd.s32 $0xFFFFE003, lr  }
0x1b: {  	s9 =	sadd.s32 $0xFFFFFEF7, lr;
	s5 =	simm.s32 $0xFFFFFFFF;
	p2 =	slt.u32 s8, $0xFFFFF086  }
0x1c: {  	p1 =	slt.u32 s9, $0xF7A;
	s5 =	simm.s32 @!p2 $0x0  }
0x1d: {  	s5 =	simm.s32 @p1 $0x1;
	p0 =	seq.s32 s7, s2  }
0x1e: {  	s7 =	smul.u32 @!p0 $0xF7A, s2;
	p2 =	seq.s32 @!p0 s5, $0x0  }
0x1f: {  	s9 =	smul.u32 $0xF7A, s1;
	s8 =	simm.s32 @!p0 $0x1BF5;
	p2 =	por !p2, p0  }
0x20: {  	[sflag:s8] =	ssyncset.s32 @!p0 $0xFFFFF086;
	s6 =	sadd.s32 @!p0 s3, s7;
	s7 =	simm.s32 @!p0 $0x108  }
0x21: {  	s3 =	sadd.s32 s3, s9;
	s6 =	sadd.s32 @!p0 $0x88, s6;
	s7 =	simm.s32 @p2 $0x1082  }
0x22: {  	[simem:s7], [sflag:s8] =	dma.local @!p0 [hbm:s6], $0xF7A  }
0x23: {  	s9 =	sor.u32 $0xD0000000, s2;
	s6 =	simm.s32 $0x108;
	_ =	swait.ge @!p0 [sflag:s8], $0x0  }
0x24: {  	s3 =	sadd.s32 $0x88, s3;
	s6 =	simm.s32 @!p1 $0x1082;
	[sflag:s4] =	ssyncset.s32 $0xFFFFF086  }
0x25: {  	[simem:s6], [sflag:s4] =	dma.local [hbm:s3], $0xF7A  }
0x26: {  	[smem:$0x3F9A] =	sst s1;
	(tag) =	ssettag s2;
	_ =	strace s9  }
0x27: {  	s1 =	sld [smem:$0x3FAA]  }
0x28: {  	s2 =	sld [smem:$0x3FAB]  }
0x29: {  	s4 =	sld [smem:$0x3FAD]  }
0x2a: {  	p0 =	seq.s32 s5, $0x0;
	s5 =	sld [smem:$0x3FAE]  }
0x2b: {  	s6 =	sld [smem:$0x3FAF]  }
0x2c: {  	s7 =	sld [smem:$0x3FB0]  }
0x2d: {  	s3 =	simm.s32 $0x108;
	s8 =	sld [smem:$0x3FB1]  }
0x2e: {  	s3 =	simm.s32 @!p0 $0x1082;
	s9 =	sld [smem:$0x3FB2]  }
0x2f: {  	lr =	sadd.s32 s0, s3;
	s0 =	sld [smem:$0x3FA9]  }
0x30: {  	s3 =	sld [smem:$0x3FAC]  }
0x31: {  	[smem:$0x3FB5] =	sst s10  }
0x32: {  	s10 =	sld [smem:$0x3FB3];
	_ =	sdelay $0x3  }
0x33: {  	p0 =	seq.s32 s10, $0x1;
	s10 =	sld [smem:$0x3FB5];
	_ =	sdelay $0x3  }
0x34: {  	[smem:$0x3FB5] =	sst s10  }
0x35: {  	s10 =	sld [smem:$0x3FB4];
	_ =	sdelay $0x3  }
0x36: {  	p1 =	seq.s32 s10, $0x1;
	s10 =	sld [smem:$0x3FB5];
	_ =	sdelay $0x3  }
0x37: {  	[smem:$0x3FB5] =	sst s10  }
0x38: {  	s10 =	sld [smem:$0x3FB6]  }
0x39: {  	_ = 	snop;
	(pc) =	sbr.ind lr, $3  }
0x3a: {  	_ = 	snop  }
0x3b: {  	_ = 	snop  }
0x3c: {  	p2 =	seq.s32 s10, $0x1;
	s10 =	sld [smem:$0x3FB5]  }
0x3d: {  	_ =	shalt  }
0x3e: {  	_ =	shalt  }
0x3f: {  	_ =	shalt  }
0x40: {  	_ =	shalt  }
0x41: {  	_ =	shalt  }
0x42: {  	_ =	shalt  }
0x43: {  	_ =	shalt  }
0x44: {  	_ =	shalt  }
0x45: {  	_ =	shalt  }
0x46: {  	_ =	shalt  }
0x47: {  	_ =	shalt  }
0x48: {  	_ =	shalt  }
0x49: {  	_ =	shalt  }
0x4a: {  	_ =	shalt  }
0x4b: {  	_ =	shalt  }
0x4c: {  	_ =	shalt  }
0x4d: {  	_ =	shalt  }
0x4e: {  	_ =	shalt  }
0x4f: {  	_ =	shalt  }
0x50: {  	_ =	shalt  }
0x51: {  	_ =	shalt  }
0x52: {  	_ =	shalt  }
0x53: {  	_ =	shalt  }
0x54: {  	_ =	shalt  }
0x55: {  	_ =	shalt  }
0x56: {  	_ =	shalt  }
0x57: {  	_ =	shalt  }
0x58: {  	_ =	shalt  }
0x59: {  	_ =	shalt  }
0x5a: {  	_ =	shalt  }
0x5b: {  	_ =	shalt  }
0x5c: {  	_ =	shalt  }
0x5d: {  	_ =	shalt  }
0x5e: {  	_ =	shalt  }
0x5f: {  	_ =	shalt  }
0x60: {  	_ =	shalt  }
0x61: {  	_ =	shalt  }
0x62: {  	_ =	shalt  }
0x63: {  	_ =	shalt  }
0x64: {  	_ =	shalt  }
0x65: {  	_ =	shalt  }
0x66: {  	_ =	shalt  }
0x67: {  	_ =	shalt  }
0x68: {  	_ =	shalt  }
0x69: {  	_ =	shalt  }
0x6a: {  	_ =	shalt  }
0x6b: {  	_ =	shalt  }
0x6c: {  	_ =	shalt  }
0x6d: {  	_ =	shalt  }
0x6e: {  	_ =	shalt  }
0x6f: {  	_ =	shalt  }
0x70: {  	_ =	shalt  }
0x71: {  	_ =	shalt  }
0x72: {  	_ =	shalt  }
0x73: {  	_ =	shalt  }
0x74: {  	_ =	shalt  }
0x75: {  	_ =	shalt  }
0x76: {  	_ =	shalt  }
0x77: {  	_ =	shalt  }
0x78: {  	_ =	shalt  }
0x79: {  	_ =	shalt  }
0x7a: {  	_ =	shalt  }
0x7b: {  	_ =	shalt  }
0x7c: {  	_ =	shalt  }
0x7d: {  	_ =	shalt  }
0x7e: {  	_ =	shalt  }
0x7f: {  	_ =	shalt  }
0x80: {  	_ =	shalt  }
0x81: {  	_ =	shalt  }
0x82: {  	_ =	shalt  }
0x83: {  	_ =	shalt  }
0x84: {  	_ =	shalt  }
0x85: {  	_ =	shalt  }
0x86: {  	_ =	shalt  }
0x87: {  	_ =	shalt  }
.Lfunc_end0:
.L_simem_size_0:
called_computation.1_lowered:
.L_overlay_start_0:
0x88: {  	s2 =	sld [smem:$0x3FD9]  }
0x89: {  	s3 =	sld [smem:$0x3FFE];
	_ =	sdelay $0x1  }
0x8a: {  	s1 =	srdreg.scid  }
0x8b: {  	s0 =	sand.u32 $0x1, s1  }
0x8c: {  	s14 =	sshll.u32 s0, $0xA;
	s2 =	sadd.s32 s3, s2  }
0x8d: {  	s2 =	sadd.s32 s2, s14  }
0x8e: {  	[smem:$0x3FC1] =	sst s2  }
0x8f: {  	_ = 	snop  }
0x90: {  	s2 =	sld [smem:$0x3FD0];
	_ =	sdelay $0x2  }
0x91: {  	s15 =	simm.s32 $0xA;
	s4 =	simm.s32 $0x10  }
0x92: {  	[smem:s4], [sflag:s15] =	dma.local [hbm:s2], $0x1  }
0x93: {  	_ =	swait.eq [sflag:s15], $0x1  }
0x94: {  	[sflag:s15] =	ssyncset.done $0x0  }
0x95: {  	[sflag:s15] =	ssyncadd.s32 $0xFFFFFFFF  }
0x96: {  	s16 =	sld [smem:$0x11];
	(tm) =	ssettm $0x1  }
0x97: {  	s17 =	sld [smem:$0x3FFB];
	_ =	sdelay $0x3  }
0x98: {  	_ =	strace s17  }
0x99: {  	s3 =	sld [smem:$0x3FFC];
	_ =	sdelay $0x3  }
0x9a: {  	_ =	strace s3  }
0x9b: {  	s3 =	sld [smem:$0x3FFD];
	_ =	sdelay $0x3  }
0x9c: {  	_ =	strace s3  }
0x9d: {  	_ =	strace $0x8FFFFFFF  }
0x9e: {  	s18 =	sld [smem:$0x3FDB];
	_ =	sdelay $0x1  }
0x9f: {  	s19 =	simm.s32 $_scs_section_size  }
0xa0: {  	s5 =	simm.s32 $_size__tile_overlayer_lowered;
	s6 =	simm.s32 $_tile_overlayer_lowered  }
0xa1: {  	s22 =	simm.s32 $0x1BFF;
	s21 =	sshll.u32 s6, $0x1;
	s3 =	sadd.s32 s19, s18  }
0xa2: {  	s7 =	simm.s32 $0x0;
	s20 =	sshll.u32 s5, $0x1;
	s5 =	sadd.s32 s21, s3  }
0xa3: {  	[timem:s7], [sflag:s22] =	dma.local [hbm:s5], s20  }
0xa4: {  	_ =	swait.ge [sflag:s22], s20  }
0xa5: {  	s4 =	ssub.s32 $0x0, s20;
	[sflag:s22] =	ssyncset.done $0x0  }
0xa6: {  	[sflag:s22] =	ssyncadd.s32 s4;
	_ =	sdelay $0x1  }
0xa7: {  	s23 =	simm.s32 $0x1B8B  }
0xa8: {  	_ =	swait.ge [sflag:s23], $0x1  }
0xa9: {  	[sflag:s23] =	ssyncset.done $0x0  }
0xaa: {  	s25 =	simm.s32 $0x1B8E;
	s24 =	sld [smem:$0x3FFE];
	[sflag:s23] =	ssyncadd.s32 $0xFFFFFFFF  }
0xab: {  	s26 =	simm.s32 $execute0_lowered;
	[smem:$0x3FD2] =	sst s25  }
0xac: {  	s5 =	sshll.u32 s26, $0x1;
	_ =	strace $0x80000049;
	[dreg:$0x1] =	wrdreg $0xFFFFFFFF  }
0xad: {  	s28 =	simm.s32 $_size_execute0_lowered;
	s3 =	sadd.s32 s3, s5;
	[dreg:$0x0] =	wrdreg $0x0  }
0xae: {  	s5 =	sshll.u32 s28, $0x1;
	[dreg:$0x2] =	wrdreg s3  }
0xaf: {  	[dreg:$0x3] =	wrdreg s5  }
0xb0: {  	[dreg:$0x4] =	wrdreg $0xC0  }
0xb1: {  	_ =	task [dreg:s7], $0x5FFFF  }
0xb2: {  	[dreg:$0x1] =	wrdreg $0xFFFFFFFF  }
0xb3: {  	[dreg:$0x0] =	wrdreg $0x60  }
0xb4: {  	[dreg:$0x2] =	wrdreg s24  }
0xb5: {  	[dreg:$0x3] =	wrdreg s16  }
0xb6: {  	[dreg:$0x4] =	wrdreg $0x11800  }
0xb7: {  	[dreg:$0x5] =	wrdreg $0x9  }
0xb8: {  	_ =	task.clear_ibuf [dreg:s7], $0x6FFFF;
	_ =	strace $0x90000049  }
0xb9: {  	s29 =	simm.s32 $0x9;
	_ =	strace $0x8000004B  }
0xba: {  	_ =	swait.ge [sflag:s29], $0x1  }
0xbb: {  	[sflag:s29] =	ssyncadd.s32 $0xFFFFFFFF  }
0xbc: {  	_ =	strace $0x9000004B  }
0xbd: {  	_ =	sfence  }
0xbe: {  	s30 =	sld [smem:$0x0];
	_ =	sdelay $0x2  }
0xbf: {  	s31 =	sshll.u32 s1, $0xD;
	s1 =	sshrl.u32 s1, $0x2  }
0xc0: {  	s3 =	sand.u32 $0x4000, s31;
	s1 =	sadd.s32 s1, s30  }
0xc1: {  	s0 =	sor.u32 s3, s0;
	s1 =	sshll.u32 s1, $0x11  }
0xc2: {  	s0 =	sor.u32 s1, s0  }
0xc3: {  	s0 =	sadd.s32 $0x8F2B, s0  }
0xc4: {  	[sflag:s0] =	ssyncadd.remote.s32 $0x1  }
0xc5: {  	_ =	sfence.sel $0xFFFF  }
0xc6: {  	[dreg:$0x0] =	wrdreg $0xFFFFFFFF;
	(pc) =	sbr.abs _section_cstart, $3  }
0xc7: {  	[dreg:$0x1] =	wrdreg $0xFFFFFFFF  }
0xc8: {  	_ =	task.clear_ibuf [dreg:s7], $0x2FFFF;
	_ =	strace $0x9FFFFFFF  }
0xc9: {  	(tm) =	ssettm $0x7FFFFFFF  }
tec
execute0_lowered:
.L_overlay_start_1:
0x0: {  	(tag) =	ssettag $0x1  }
0x1: {  	s8 =	rddreg [dreg:$0x0]  }
0x2: {  	s11 =	rddreg [dreg:$0x1]  }
0x3: {  	s1 =	rddreg [dreg:$0x2]  }
0x4: {  	s0 =	rddreg [dreg:$0x3];
	s2 =	simm.s32 $0x0  }
0x5: {  	s7 =	srdreg.scid;
	s3 =	stileid.u32;
	s16 =	simm.s32 $0x100  }
0x6: {  	s17 =	simm.s32 $0x40;
	s18 =	simm.s32 $0x180;
	s19 =	simm.s32 $0xC0  }
0x7: {  	s20 =	simm.s32 $0x140;
	s21 =	simm.s32 $0x980;
	s22 =	simm.s32 $0x1  }
0x8: {  	s23 =	simm.s32 $0x2;
	[smem:$0x7FF] =	sst s2;
	s4 =	sadd.s32 $0x6A00, s8  }
0x9: {  	s5 =	sadd.s32 $0x1A00, s8;
	s6 =	sadd.s32 $0x5BC00, s8;
	s9 =	sand.u32 $0x1, s7  }
0xa: {  	s10 =	smul.u32 $0x5000, s3;
	s7 =	sadd.s32 $0xBA00, s8;
	s8 =	sadd.s32 $0xE00, s8  }
0xb: {  	s15 =	sshll.u32 s3, $0x1;
	s30 =	sshll.u32 s3, $0x6;
	_ =	strace $0x8000004A  }
0xc: {  	s12 =	ssub.s32 $0x2, s9;
	s13 =	smul.u32 $0x50000, s9;
	s26 =	sor.u32 s9, s15  }
0xd: {  	s9 =	sor.u32 $0x1C03, s30;
	s15 =	simm.s32 $0x80;
	s14 =	sshrl.u32 s12, $0x1  }
0xe: {  	s29 =	sadd.s32 s10, s1;
	s12 =	ssub.s32 s12, s14;
	s28 =	sadd.s32 s10, s13  }
0xf: {  	s10 =	smul.u32 $0x1400, s26;
	s13 =	sshrl.u32 s29, $0x3;
	s31 =	sshrl.u32 s28, $0x3  }
0x10: {  	s14 =	simm.s32 $0x3;
	s12 =	smax.u32 s12, $0x1;
	s11 =	sadd.s32 s11, s31  }
.LBB2_1:
0x11: {  	[spmem:s13], [sflag:s9] =	dma.local [hbm:s8], $0xA00  }
0x12: {  	_ =	swait.ge [sflag:s14], $0xA00  }
0x13: {  	[sflag:s14] =	ssyncset.done $0x0  }
0x14: {  	[sflag:s14] =	ssyncadd.s32 $0xFFFFF600  }
0x15: {  	s24 =	simm.s32 $0x0;
	[bflag:$0x0] =	sbarrier.arrive $0xFFFF  }
.LBB2_2:
0x16: {  	s25 =	sshll.u32 s24, $0x7  }
0x17: {  	s25 =	sadd.s32 s10, s25  }
0x18: {  	s25 =	sshrl.u32 s25, $0x3  }
0x19: {  	s28 =	simm.s32 $0x0;
	s26 =	sadd.s32 s4, s25  }
0x1a: {  	[tilespmem:s28], [sflag:$0x3] =	stream.linear.gather [hbm4b:s26+s28], $0x40, $0x38;
	[tilespmem:$0x6180] =	vst v63  }
0x1b: {  	_ =	swait.ge [sflag:s14], $0x40  }
0x1c: {  	[sflag:s14] =	ssyncset.done $0x0  }
0x1d: {  	s31 =	sadd.s32 s5, s25;
	[sflag:s14] =	ssyncadd.s32 $0xFFFFFFC0  }
0x1e: {  	[tilespmem:s15], [sflag:$0x3] =	stream.linear.gather [hbm4b:s31+s28], $0x40, $0x38;
	[tilespmem:$0x6180] =	vst v63  }
0x1f: {  	_ =	swait.ge [sflag:s14], $0x40  }
0x20: {  	[sflag:s14] =	ssyncset.done $0x0  }
0x21: {  	s29 =	sadd.s32 s6, s25;
	[sflag:s14] =	ssyncadd.s32 $0xFFFFFFC0  }
0x22: {  	[tilespmem:s16], [sflag:$0x3] =	stream.linear.gather [hbm4b:s29+s28], $0x40, $0x38;
	[tilespmem:$0x6180] =	vst v63  }
0x23: {  	_ =	swait.ge [sflag:s14], $0x40  }
0x24: {  	[sflag:s14] =	ssyncset.done $0x0  }
0x25: {  	s25 =	sor.u32 $0x8, s25;
	[sflag:s14] =	ssyncadd.s32 $0xFFFFFFC0  }
0x26: {  	[tilespmem:s18], [sflag:$0x1] =	stream.indirect.gather [hbm4b:s7+s17], $0x20, s28, s17, $0xb8;
	[tilespmem:$0x6180] =	vst v63  }
0x27: {  	s30 =	sadd.s32 s4, s25  }
0x28: {  	[tilespmem:s17], [sflag:$0x3] =	stream.linear.gather [hbm4b:s30+s28], $0x40, $0x38;
	[tilespmem:$0x6180] =	vst v63  }
0x29: {  	_ =	swait.ge [sflag:s14], $0x40  }
0x2a: {  	[sflag:s14] =	ssyncset.done $0x0  }
0x2b: {  	s31 =	sadd.s32 s5, s25;
	[sflag:s14] =	ssyncadd.s32 $0xFFFFFFC0  }
0x2c: {  	[tilespmem:s19], [sflag:$0x3] =	stream.linear.gather [hbm4b:s31+s28], $0x40, $0x38;
	[tilespmem:$0x6180] =	vst v63  }
0x2d: {  	_ =	swait.ge [sflag:s14], $0x40  }
0x2e: {  	[sflag:s14] =	ssyncset.done $0x0  }
0x2f: {  	s25 =	sadd.s32 s6, s25;
	[sflag:s14] =	ssyncadd.s32 $0xFFFFFFC0  }
0x30: {  	v0 =	vmov s28;
	[tilespmem:s20], [sflag:$0x3] =	stream.linear.gather [hbm4b:s25+s28], $0x40, $0x38;
	[tilespmem:$0x6180] =	vst v63  }
0x31: {  	v0 =	vand.u32 $0xFFFFFFFC, v0;
	_ =	swait.ge [sflag:s14], $0x40  }
0x32: {  	v0 =	vbroadcast v0, $0x0;
	[sflag:s14] =	ssyncset.done $0x0  }
0x33: {  	[sflag:s14] =	ssyncadd.s32 $0xFFFFFFC0  }
0x34: {  	[tilespmem:s21], [sflag:$0x2] =	stream.indirect.gather [hbm4b:s7+s17], $0x20, s17, s17, $0xb8;
	[tilespmem:$0x6180] =	vst v63  }
0x35: {  	_ =	swait.ge [sflag:s22], $0x800  }
0x36: {  	[sflag:s22] =	ssyncset.done $0x0  }
0x37: {  	[sflag:s22] =	ssyncadd.s32 $0xFFFFF800  }
0x38: {  	s25 =	simm.s32 $0x1C0;
	v0 =	vld.idx.msk [tilespmem:v0+s16+$0x0], $0xffff  }
0x39: {  	s29 =	simm.s32 $0x1;
	v1 =	vld [tilespmem:s25+$0xFFFFFFC0]  }
0x3a: {  	v3 =	vmov s29;
	v2 =	vld [tilespmem:s25+$0xFFFFFFD0]  }
0x3b: {  	v3 =	vand.u32 $0xFFFFFFFD, v3  }
0x3c: {  	v3 =	vbroadcast v3, $0x0;
	_ =	sdelay $0x1  }
0x3d: {  	v1 =	vmul.f32 v1, v0  }
0x3e: {  	v0 =	vmul.f32 v2, v0  }
0x3f: {  	[tilespmem:s25+$0xFFFFFFC0] =	vst v1  }
0x40: {  	[tilespmem:s25+$0xFFFFFFD0] =	vst v0;
	v1 =	vld [tilespmem:s25+$0xFFFFFFE0]  }
0x41: {  	s30 =	simm.s32 $0x2;
	v0 =	vld.idx.msk [tilespmem:v3+s16+$0x0], $0xffff  }
0x42: {  	v2 =	vld [tilespmem:s25+$0xFFFFFFF0];
	v3 =	vmov s30  }
0x43: {  	v3 =	vand.u32 $0xFFFFFFFE, v3  }
0x44: {  	v3 =	vbroadcast v3, $0x0;
	_ =	sdelay $0x1  }
0x45: {  	v1 =	vmul.f32 v1, v0  }
0x46: {  	v0 =	vmul.f32 v2, v0  }
0x47: {  	[tilespmem:s25+$0xFFFFFFE0] =	vst v1  }
0x48: {  	[tilespmem:s25+$0xFFFFFFF0] =	vst v0;
	v0 =	vld [tilespmem:s25+$0x10]  }
0x49: {  	v1 =	vld.idx.msk [tilespmem:v3+s16+$0x0], $0xffff  }
0x4a: {  	v2 =	vld [tilespmem:s25+$0x0];
	_ =	sdelay $0x1  }
0x4b: {  	s31 =	simm.s32 $0x3  }
0x4c: {  	v3 =	vmov s31  }
0x4d: {  	v0 =	vmul.f32 v0, v1  }
0x4e: {  	v1 =	vmul.f32 v2, v1  }
0x4f: {  	[tilespmem:s25+$0x10] =	vst v0  }
0x50: {  	[tilespmem:s25+$0x0] =	vst v1;
	v0 =	vld [tilespmem:s25+$0x30]  }
0x51: {  	v1 =	vld.idx.msk [tilespmem:v3+s16+$0x0], $0xffff  }
0x52: {  	s26 =	simm.s32 $0x4;
	v3 =	vld [tilespmem:s25+$0x20]  }
0x53: {  	v2 =	vmov s26  }
0x54: {  	v2 =	vand.u32 $0xFFFFFFFC, v2  }
0x55: {  	s28 =	simm.s32 $0x8;
	v2 =	vbroadcast v2, $0x0  }
.LBB2_3:
0x56: {  	p0 =	slt.u32 s28, $0x3C  }
0x57: {  	v0 =	vmul.f32 v0, v1;
	v3 =	vmul.f32 v3, v1;
	_ =	sdelay $0x1  }
0x58: {  	[tilespmem:s25+$0x20] =	vst v3  }
0x59: {  	[tilespmem:s25+$0x30] =	vst v0  }
0x5a: {  	s25 =	sadd.s32 $0x80, s25;
	v0 =	vld.idx.msk [tilespmem:v2+s16+$0x0], $0xffff  }
0x5b: {  	s29 =	sadd.s32 $0x1, s26;
	v1 =	vld [tilespmem:s25+$0xFFFFFFC0]  }
0x5c: {  	v3 =	vmov s29;
	v2 =	vld [tilespmem:s25+$0xFFFFFFD0]  }
0x5d: {  	v3 =	vand.u32 $0xFFFFFFFD, v3  }
0x5e: {  	v3 =	vbroadcast v3, $0x0;
	_ =	sdelay $0x1  }
0x5f: {  	v1 =	vmul.f32 v1, v0  }
0x60: {  	v0 =	vmul.f32 v2, v0  }
0x61: {  	[tilespmem:s25+$0xFFFFFFC0] =	vst v1  }
0x62: {  	[tilespmem:s25+$0xFFFFFFD0] =	vst v0  }
0x63: {  	v0 =	vld.idx.msk [tilespmem:v3+s16+$0x0], $0xffff  }
0x64: {  	s29 =	sadd.s32 $0x2, s26;
	v1 =	vld [tilespmem:s25+$0xFFFFFFE0]  }
0x65: {  	v3 =	vmov s29;
	v2 =	vld [tilespmem:s25+$0xFFFFFFF0]  }
0x66: {  	v3 =	vand.u32 $0xFFFFFFFE, v3  }
0x67: {  	v3 =	vbroadcast v3, $0x0;
	_ =	sdelay $0x1  }
0x68: {  	v1 =	vmul.f32 v1, v0  }
0x69: {  	v0 =	vmul.f32 v2, v0  }
0x6a: {  	[tilespmem:s25+$0xFFFFFFE0] =	vst v1  }
0x6b: {  	[tilespmem:s25+$0xFFFFFFF0] =	vst v0;
	v0 =	vld [tilespmem:s25+$0x10]  }
0x6c: {  	v1 =	vld.idx.msk [tilespmem:v3+s16+$0x0], $0xffff  }
0x6d: {  	v2 =	vld [tilespmem:s25+$0x0];
	_ =	sdelay $0x2  }
0x6e: {  	s29 =	sadd.s32 $0x3, s26;
	s26 =	smov.u32 s28  }
0x6f: {  	v3 =	vmov s29  }
0x70: {  	v0 =	vmul.f32 v0, v1;
	v2 =	vmul.f32 v2, v1;
	_ =	sdelay $0x1  }
0x71: {  	[tilespmem:s25+$0x10] =	vst v0  }
0x72: {  	[tilespmem:s25+$0x0] =	vst v2;
	v0 =	vld [tilespmem:s25+$0x30]  }
.Ltmp0:
0x73: {  	v1 =	vld.idx.msk [tilespmem:v3+s16+$0x0], $0xffff;
	(pc) =	sbr.rel @p0 .LBB2_3-.Ltmp0, $4  }
0x74: {  	v3 =	vld [tilespmem:s25+$0x20]  }
0x75: {  	v2 =	vmov s28  }
0x76: {  	v2 =	vand.u32 $0xFFFFFFFC, v2  }
0x77: {  	s28 =	sadd.s32 $0x4, s28;
	v2 =	vbroadcast v2, $0x0  }
0x78: {  	_ = 	snop  }
0x79: {  	v0 =	vmul.f32 v0, v1  }
0x7a: {  	v3 =	vmul.f32 v3, v1  }
0x7b: {  	s29 =	sadd.s32 $0x80, s25;
	[tilespmem:s25+$0x30] =	vst v0  }
0x7c: {  	v1 =	vld [tilespmem:s29+$0xFFFFFFC0];
	[tilespmem:s25+$0x20] =	vst v3  }
0x7d: {  	s28 =	sadd.s32 $0x1, s26;
	v0 =	vld.idx.msk [tilespmem:v2+s16+$0x0], $0xffff  }
0x7e: {  	v3 =	vmov s28;
	v2 =	vld [tilespmem:s29+$0xFFFFFFD0]  }
0x7f: {  	v3 =	vand.u32 $0xFFFFFFFD, v3  }
0x80: {  	v3 =	vbroadcast v3, $0x0;
	_ =	sdelay $0x1  }
0x81: {  	v1 =	vmul.f32 v1, v0  }
0x82: {  	v0 =	vmul.f32 v2, v0  }
0x83: {  	[tilespmem:s29+$0xFFFFFFC0] =	vst v1  }
0x84: {  	[tilespmem:s29+$0xFFFFFFD0] =	vst v0;
	v1 =	vld [tilespmem:s29+$0xFFFFFFE0]  }
0x85: {  	s28 =	sadd.s32 $0x2, s26;
	v0 =	vld.idx.msk [tilespmem:v3+s16+$0x0], $0xffff  }
0x86: {  	v2 =	vld [tilespmem:s29+$0xFFFFFFF0];
	v3 =	vmov s28  }
0x87: {  	v3 =	vand.u32 $0xFFFFFFFE, v3  }
0x88: {  	v3 =	vbroadcast v3, $0x0;
	_ =	sdelay $0x1  }
0x89: {  	v1 =	vmul.f32 v1, v0  }
0x8a: {  	v0 =	vmul.f32 v2, v0  }
0x8b: {  	[tilespmem:s29+$0xFFFFFFE0] =	vst v1  }
0x8c: {  	[tilespmem:s29+$0xFFFFFFF0] =	vst v0;
	v0 =	vld [tilespmem:s29+$0x10]  }
0x8d: {  	v1 =	vld.idx.msk [tilespmem:v3+s16+$0x0], $0xffff  }
0x8e: {  	v2 =	vld [tilespmem:s29+$0x0];
	_ =	sdelay $0x1  }
0x8f: {  	s30 =	sadd.s32 $0x3, s26  }
0x90: {  	v3 =	vmov s30  }
0x91: {  	v0 =	vmul.f32 v0, v1  }
0x92: {  	v1 =	vmul.f32 v2, v1  }
0x93: {  	[tilespmem:s29+$0x10] =	vst v0  }
0x94: {  	[tilespmem:s29+$0x0] =	vst v1;
	v1 =	vld [tilespmem:s29+$0x20]  }
0x95: {  	v0 =	vld.idx.msk [tilespmem:v3+s16+$0x0], $0xffff  }
0x96: {  	v2 =	vld [tilespmem:s29+$0x30];
	_ =	sdelay $0x3  }
0x97: {  	v1 =	vmul.f32 v1, v0  }
0x98: {  	v0 =	vmul.f32 v2, v0  }
0x99: {  	s31 =	simm.s32 $0x0;
	[tilespmem:s29+$0x20] =	vst v1  }
0x9a: {  	[tilespmem:s29+$0x30] =	vst v0;
	v0 =	vmov s31  }
0x9b: {  	[spmem:s1] =	stream.indirect.scatter.add.f32 [tilespmem:s18], [sflag:$0x3], $0x20, s15, s17, $0xb8;
	v0 =	vand.u32 $0xFFFFFFFC, v0;
	[tilespmem:$0x6180] =	vst v63  }
0x9c: {  	_ =	swait.ge [sflag:s14], $0x800;
	v0 =	vbroadcast v0, $0x0  }
0x9d: {  	[sflag:s14] =	ssyncset.done $0x0  }
0x9e: {  	[sflag:s14] =	ssyncadd.s32 $0xFFFFF800  }
0x9f: {  	_ =	swait.ge [sflag:s23], $0x800  }
0xa0: {  	[sflag:s23] =	ssyncset.done $0x0  }
0xa1: {  	[sflag:s23] =	ssyncadd.s32 $0xFFFFF800  }
0xa2: {  	s25 =	simm.s32 $0x9C0;
	v0 =	vld.idx.msk [tilespmem:v0+s20+$0x0], $0xffff  }
0xa3: {  	s29 =	simm.s32 $0x1;
	v1 =	vld [tilespmem:s25+$0xFFFFFFC0]  }
0xa4: {  	v3 =	vmov s29;
	v2 =	vld [tilespmem:s25+$0xFFFFFFD0]  }
0xa5: {  	v3 =	vand.u32 $0xFFFFFFFD, v3  }
0xa6: {  	v3 =	vbroadcast v3, $0x0;
	_ =	sdelay $0x1  }
0xa7: {  	v1 =	vmul.f32 v1, v0  }
0xa8: {  	v0 =	vmul.f32 v2, v0  }
0xa9: {  	[tilespmem:s25+$0xFFFFFFC0] =	vst v1  }
0xaa: {  	[tilespmem:s25+$0xFFFFFFD0] =	vst v0;
	v1 =	vld [tilespmem:s25+$0xFFFFFFE0]  }
0xab: {  	s30 =	simm.s32 $0x2;
	v0 =	vld.idx.msk [tilespmem:v3+s20+$0x0], $0xffff  }
0xac: {  	v2 =	vld [tilespmem:s25+$0xFFFFFFF0];
	v3 =	vmov s30  }
0xad: {  	v3 =	vand.u32 $0xFFFFFFFE, v3  }
0xae: {  	v3 =	vbroadcast v3, $0x0;
	_ =	sdelay $0x1  }
0xaf: {  	v1 =	vmul.f32 v1, v0  }
0xb0: {  	v0 =	vmul.f32 v2, v0  }
0xb1: {  	[tilespmem:s25+$0xFFFFFFE0] =	vst v1  }
0xb2: {  	[tilespmem:s25+$0xFFFFFFF0] =	vst v0;
	v0 =	vld [tilespmem:s25+$0x10]  }
0xb3: {  	v1 =	vld.idx.msk [tilespmem:v3+s20+$0x0], $0xffff  }
0xb4: {  	v2 =	vld [tilespmem:s25+$0x0];
	_ =	sdelay $0x1  }
0xb5: {  	s31 =	simm.s32 $0x3  }
0xb6: {  	v3 =	vmov s31  }
0xb7: {  	v0 =	vmul.f32 v0, v1  }
0xb8: {  	v1 =	vmul.f32 v2, v1  }
0xb9: {  	[tilespmem:s25+$0x10] =	vst v0  }
0xba: {  	[tilespmem:s25+$0x0] =	vst v1;
	v0 =	vld [tilespmem:s25+$0x30]  }
0xbb: {  	v1 =	vld.idx.msk [tilespmem:v3+s20+$0x0], $0xffff  }
0xbc: {  	s26 =	simm.s32 $0x4;
	v3 =	vld [tilespmem:s25+$0x20]  }
0xbd: {  	v2 =	vmov s26  }
0xbe: {  	v2 =	vand.u32 $0xFFFFFFFC, v2  }
0xbf: {  	s28 =	simm.s32 $0x8;
	v2 =	vbroadcast v2, $0x0  }
.LBB2_5:
0xc0: {  	p0 =	slt.u32 s28, $0x3C  }
0xc1: {  	v0 =	vmul.f32 v0, v1;
	v3 =	vmul.f32 v3, v1;
	_ =	sdelay $0x1  }
0xc2: {  	[tilespmem:s25+$0x20] =	vst v3  }
0xc3: {  	[tilespmem:s25+$0x30] =	vst v0  }
0xc4: {  	s25 =	sadd.s32 $0x80, s25;
	v0 =	vld.idx.msk [tilespmem:v2+s20+$0x0], $0xffff  }
0xc5: {  	s29 =	sadd.s32 $0x1, s26;
	v1 =	vld [tilespmem:s25+$0xFFFFFFC0]  }
0xc6: {  	v3 =	vmov s29;
	v2 =	vld [tilespmem:s25+$0xFFFFFFD0]  }
0xc7: {  	v3 =	vand.u32 $0xFFFFFFFD, v3  }
0xc8: {  	v3 =	vbroadcast v3, $0x0;
	_ =	sdelay $0x1  }
0xc9: {  	v1 =	vmul.f32 v1, v0  }
0xca: {  	v0 =	vmul.f32 v2, v0  }
0xcb: {  	[tilespmem:s25+$0xFFFFFFC0] =	vst v1  }
0xcc: {  	[tilespmem:s25+$0xFFFFFFD0] =	vst v0  }
0xcd: {  	v0 =	vld.idx.msk [tilespmem:v3+s20+$0x0], $0xffff  }
0xce: {  	s29 =	sadd.s32 $0x2, s26;
	v1 =	vld [tilespmem:s25+$0xFFFFFFE0]  }
0xcf: {  	v3 =	vmov s29;
	v2 =	vld [tilespmem:s25+$0xFFFFFFF0]  }
0xd0: {  	v3 =	vand.u32 $0xFFFFFFFE, v3  }
0xd1: {  	v3 =	vbroadcast v3, $0x0;
	_ =	sdelay $0x1  }
0xd2: {  	v1 =	vmul.f32 v1, v0  }
0xd3: {  	v0 =	vmul.f32 v2, v0  }
0xd4: {  	[tilespmem:s25+$0xFFFFFFE0] =	vst v1  }
0xd5: {  	[tilespmem:s25+$0xFFFFFFF0] =	vst v0;
	v0 =	vld [tilespmem:s25+$0x10]  }
0xd6: {  	v1 =	vld.idx.msk [tilespmem:v3+s20+$0x0], $0xffff  }
0xd7: {  	v2 =	vld [tilespmem:s25+$0x0];
	_ =	sdelay $0x2  }
0xd8: {  	s29 =	sadd.s32 $0x3, s26;
	s26 =	smov.u32 s28  }
0xd9: {  	v3 =	vmov s29  }
0xda: {  	v0 =	vmul.f32 v0, v1;
	v2 =	vmul.f32 v2, v1;
	_ =	sdelay $0x1  }
0xdb: {  	[tilespmem:s25+$0x10] =	vst v0  }
0xdc: {  	[tilespmem:s25+$0x0] =	vst v2;
	v0 =	vld [tilespmem:s25+$0x30]  }
.Ltmp1:
0xdd: {  	v1 =	vld.idx.msk [tilespmem:v3+s20+$0x0], $0xffff;
	(pc) =	sbr.rel @p0 .LBB2_5-.Ltmp1, $4  }
0xde: {  	v3 =	vld [tilespmem:s25+$0x20]  }
0xdf: {  	v2 =	vmov s28  }
0xe0: {  	v2 =	vand.u32 $0xFFFFFFFC, v2  }
0xe1: {  	s28 =	sadd.s32 $0x4, s28;
	v2 =	vbroadcast v2, $0x0  }
0xe2: {  	_ = 	snop  }
0xe3: {  	v0 =	vmul.f32 v0, v1  }
0xe4: {  	v3 =	vmul.f32 v3, v1  }
0xe5: {  	s29 =	sadd.s32 $0x80, s25;
	[tilespmem:s25+$0x30] =	vst v0  }
0xe6: {  	v53 =	vld [tilespmem:s29+$0xFFFFFFC0];
	[tilespmem:s25+$0x20] =	vst v3  }
0xe7: {  	s28 =	sadd.s32 $0x1, s26;
	v0 =	vld.idx.msk [tilespmem:v2+s20+$0x0], $0xffff  }
0xe8: {  	v54 =	vld [tilespmem:s29+$0xFFFFFFD0];
	v55 =	vmov s28  }
0xe9: {  	v3 =	vand.u32 $0xFFFFFFFD, v55  }
0xea: {  	v3 =	vbroadcast v3, $0x0;
	_ =	sdelay $0x1  }
0xeb: {  	v1 =	vmul.f32 v53, v0  }
0xec: {  	v0 =	vmul.f32 v54, v0  }
0xed: {  	[tilespmem:s29+$0xFFFFFFC0] =	vst v1  }
0xee: {  	v56 =	vld [tilespmem:s29+$0xFFFFFFE0];
	[tilespmem:s29+$0xFFFFFFD0] =	vst v0  }
0xef: {  	s30 =	sadd.s32 $0x2, s26;
	v0 =	vld.idx.msk [tilespmem:v3+s20+$0x0], $0xffff  }
0xf0: {  	v58 =	vmov s30;
	v57 =	vld [tilespmem:s29+$0xFFFFFFF0]  }
0xf1: {  	v3 =	vand.u32 $0xFFFFFFFE, v58  }
0xf2: {  	v3 =	vbroadcast v3, $0x0;
	_ =	sdelay $0x1  }
0xf3: {  	v1 =	vmul.f32 v56, v0  }
0xf4: {  	v0 =	vmul.f32 v57, v0  }
0xf5: {  	[tilespmem:s29+$0xFFFFFFE0] =	vst v1  }
0xf6: {  	v59 =	vld [tilespmem:s29+$0x10];
	[tilespmem:s29+$0xFFFFFFF0] =	vst v0  }
0xf7: {  	v1 =	vld.idx.msk [tilespmem:v3+s20+$0x0], $0xffff  }
0xf8: {  	v60 =	vld [tilespmem:s29+$0x0];
	_ =	sdelay $0x1  }
0xf9: {  	s31 =	sadd.s32 $0x3, s26  }
0xfa: {  	v61 =	vmov s31  }
0xfb: {  	v0 =	vmul.f32 v59, v1  }
0xfc: {  	v1 =	vmul.f32 v60, v1  }
0xfd: {  	[tilespmem:s29+$0x10] =	vst v0  }
0xfe: {  	v62 =	vld [tilespmem:s29+$0x20];
	[tilespmem:s29+$0x0] =	vst v1  }
0xff: {  	v0 =	vld.idx.msk [tilespmem:v61+s20+$0x0], $0xffff  }
0x100: {  	v63 =	vld [tilespmem:s29+$0x30];
	_ =	sdelay $0x3  }
0x101: {  	v1 =	vmul.f32 v62, v0  }
0x102: {  	s24 =	sadd.s32 $0x1, s24;
	v0 =	vmul.f32 v63, v0  }
0x103: {  	p0 =	sne.s32 s24, $0x28;
	[tilespmem:s29+$0x20] =	vst v1  }
.Ltmp2:
0x104: {  	[tilespmem:s29+$0x30] =	vst v0;
	(pc) =	sbr.rel @p0 .LBB2_2-.Ltmp2, $4  }
0x105: {  	[spmem:s1] =	stream.indirect.scatter.add.f32 [tilespmem:s21], [sflag:$0x3], $0x20, s19, s17, $0xb8;
	[tilespmem:$0x6180] =	vst v63  }
0x106: {  	_ =	swait.ge [sflag:s14], $0x800  }
0x107: {  	[sflag:s14] =	ssyncset.done $0x0  }
0x108: {  	[sflag:s14] =	ssyncadd.s32 $0xFFFFF800  }
0x109: {  	s2 =	sadd.s32 $0x1, s2  }
0x10a: {  	p0 =	sne.s32 s2, s12  }
.Ltmp3:
0x10b: {  	[bflag:$0x0] =	sbarrier.arrive $0xFFFF;
	(pc) =	sbr.rel @p0 .LBB2_1-.Ltmp3, $4  }
0x10c: {  	[hbm:s11], [sflag:s9] =	dma.local [spmem:s13], $0xA00  }
0x10d: {  	_ =	swait.ge [sflag:s14], $0xA00  }
0x10e: {  	[sflag:s14] =	ssyncset.done $0x0  }
0x10f: {  	[sflag:s14] =	ssyncadd.s32 $0xFFFFF600  }
0x110: {  	_ =	sfence.sel $0x180000  }
0x111: {  	[bflag:$0x0] =	sbarrier.arrive $0xFFFF  }
0x112: {  	p0 =	sne.s32 s3, $0x0;
	_ =	strace $0x9000004A  }
0x113: {  	s0 =	sadd.s32 @!p0 $0x100000, s0;
	[bflag:$0x2] =	sbarrier.arrive $0xFFFF  }
0x114: {  	[sflag:s0] =	ssyncadd.tile.s32 @!p0 $0x1;
	_ =	shalt  }
.Lfunc_end2:
_tile_overlayer_lowered:
.L_overlay_start_2:
0x115: {  	(tag) =	ssettag $0x2  }
0x116: {  	s0 =	rddreg [dreg:$0x0];
	s2 =	stileid.u32  }
0x117: {  	s1 =	rddreg [dreg:$0x1];
	p0 =	sne.s32 s2, $0x0  }
0x118: {  	s3 =	rddreg [dreg:$0x2];
	[bflag:$0x3] =	sbarrier.arrive $0xFFFF;
	s2 =	simm.s32 @!p0 $0x1C03  }
0x119: {  	[timem:s3], [sflag:s2] =	dma.local @!p0 [hbm:s0], s1  }
0x11a: {  	s0 =	simm.s32 @!p0 $0x3  }
0x11b: {  	_ =	swait.ge @!p0 [sflag:s0], s1  }
0x11c: {  	s1 =	ssub.s32 @!p0 $0x0, s1;
	[sflag:s0] =	ssyncset.done @!p0 $0x0  }
0x11d: {  	[sflag:s0] =	ssyncadd.s32 @!p0 s1  }
0x11e: {  	[bflag:$0x3] =	sbarrier.arrive $0xFFFF  }
0x11f: {  	_ =	shalt  }

// kernel: kernel.7.cloned.1.call-start
scs
__scs_entry_jumppad:
0x0: {  	(pc) =	sbr.rel $0x88, $3  }
0x1: {  	(tag) =	ssettag $0x0;
	lr =	simm.s32 $0x1  }
0x2: {  	[smem:$0x3F9A] =	sst lr;
	_ =	strace $0xD0000000  }
0x3: {  	_ = 	snop  }
0x4: {  	_ = 	snop  }
0x5: {  	_ = 	snop  }
0x6: {  	_ = 	snop  }
0x7: {  	_ = 	snop  }
__scs_overlays_trampoline_lowered:
0x8: {  	[smem:$0x3FA9] =	sst s0  }
0x9: {  	[smem:$0x3FAA] =	sst s1  }
0xa: {  	[smem:$0x3FAB] =	sst s2  }
0xb: {  	[smem:$0x3FAC] =	sst s3  }
0xc: {  	[smem:$0x3FAD] =	sst s4  }
0xd: {  	[smem:$0x3FAE] =	sst s5  }
0xe: {  	[smem:$0x3FAF] =	sst s6  }
0xf: {  	[smem:$0x3FB0] =	sst s7  }
0x10: {  	[smem:$0x3FB1] =	sst s8  }
0x11: {  	[smem:$0x3FB2] =	sst s9;
	s0 =	simm.s32 @!p0 $0x0  }
0x12: {  	s1 =	sld [smem:$0x3F98];
	s0 =	simm.s32 @p0 $0x1  }
0x13: {  	[smem:$0x3FB3] =	sst s0;
	s0 =	simm.s32 @!p1 $0x0  }
0x14: {  	s2 =	sld [smem:$0x3F97];
	s0 =	simm.s32 @p1 $0x1  }
0x15: {  	[smem:$0x3FB4] =	sst s0;
	s0 =	simm.s32 @!p2 $0x0  }
0x16: {  	s3 =	sld [smem:$0x3FDB];
	s0 =	simm.s32 @p2 $0x1  }
0x17: {  	s4 =	simm.s32 $0x1BF5;
	[smem:$0x3FB6] =	sst s0  }
0x18: {  	s0 =	sld [smem:$0x3F99];
	_ =	swait.ge [sflag:s4], $0x0  }
0x19: {  	s7 =	sld [smem:$0x3F9A]  }
0x1a: {  	s8 =	sadd.s32 $0xFFFFE003, lr  }
0x1b: {  	s9 =	sadd.s32 $0xFFFFFEF7, lr;
	s5 =	simm.s32 $0xFFFFFFFF;
	p2 =	slt.u32 s8, $0xFFFFF086  }
0x1c: {  	p1 =	slt.u32 s9, $0xF7A;
	s5 =	simm.s32 @!p2 $0x0  }
0x1d: {  	s5 =	simm.s32 @p1 $0x1;
	p0 =	seq.s32 s7, s2  }
0x1e: {  	s7 =	smul.u32 @!p0 $0xF7A, s2;
	p2 =	seq.s32 @!p0 s5, $0x0  }
0x1f: {  	s9 =	smul.u32 $0xF7A, s1;
	s8 =	simm.s32 @!p0 $0x1BF5;
	p2 =	por !p2, p0  }
0x20: {  	[sflag:s8] =	ssyncset.s32 @!p0 $0xFFFFF086;
	s6 =	sadd.s32 @!p0 s3, s7;
	s7 =	simm.s32 @!p0 $0x108  }
0x21: {  	s3 =	sadd.s32 s3, s9;
	s6 =	sadd.s32 @!p0 $0x88, s6;
	s7 =	simm.s32 @p2 $0x1082  }
0x22: {  	[simem:s7], [sflag:s8] =	dma.local @!p0 [hbm:s6], $0xF7A  }
0x23: {  	s9 =	sor.u32 $0xD0000000, s2;
	s6 =	simm.s32 $0x108;
	_ =	swait.ge @!p0 [sflag:s8], $0x0  }
0x24: {  	s3 =	sadd.s32 $0x88, s3;
	s6 =	simm.s32 @!p1 $0x1082;
	[sflag:s4] =	ssyncset.s32 $0xFFFFF086  }
0x25: {  	[simem:s6], [sflag:s4] =	dma.local [hbm:s3], $0xF7A  }
0x26: {  	[smem:$0x3F9A] =	sst s1;
	(tag) =	ssettag s2;
	_ =	strace s9  }
0x27: {  	s1 =	sld [smem:$0x3FAA]  }
0x28: {  	s2 =	sld [smem:$0x3FAB]  }
0x29: {  	s4 =	sld [smem:$0x3FAD]  }
0x2a: {  	p0 =	seq.s32 s5, $0x0;
	s5 =	sld [smem:$0x3FAE]  }
0x2b: {  	s6 =	sld [smem:$0x3FAF]  }
0x2c: {  	s7 =	sld [smem:$0x3FB0]  }
0x2d: {  	s3 =	simm.s32 $0x108;
	s8 =	sld [smem:$0x3FB1]  }
0x2e: {  	s3 =	simm.s32 @!p0 $0x1082;
	s9 =	sld [smem:$0x3FB2]  }
0x2f: {  	lr =	sadd.s32 s0, s3;
	s0 =	sld [smem:$0x3FA9]  }
0x30: {  	s3 =	sld [smem:$0x3FAC]  }
0x31: {  	[smem:$0x3FB5] =	sst s10  }
0x32: {  	s10 =	sld [smem:$0x3FB3];
	_ =	sdelay $0x3  }
0x33: {  	p0 =	seq.s32 s10, $0x1;
	s10 =	sld [smem:$0x3FB5];
	_ =	sdelay $0x3  }
0x34: {  	[smem:$0x3FB5] =	sst s10  }
0x35: {  	s10 =	sld [smem:$0x3FB4];
	_ =	sdelay $0x3  }
0x36: {  	p1 =	seq.s32 s10, $0x1;
	s10 =	sld [smem:$0x3FB5];
	_ =	sdelay $0x3  }
0x37: {  	[smem:$0x3FB5] =	sst s10  }
0x38: {  	s10 =	sld [smem:$0x3FB6]  }
0x39: {  	_ = 	snop;
	(pc) =	sbr.ind lr, $3  }
0x3a: {  	_ = 	snop  }
0x3b: {  	_ = 	snop  }
0x3c: {  	p2 =	seq.s32 s10, $0x1;
	s10 =	sld [smem:$0x3FB5]  }
0x3d: {  	_ =	shalt  }
0x3e: {  	_ =	shalt  }
0x3f: {  	_ =	shalt  }
0x40: {  	_ =	shalt  }
0x41: {  	_ =	shalt  }
0x42: {  	_ =	shalt  }
0x43: {  	_ =	shalt  }
0x44: {  	_ =	shalt  }
0x45: {  	_ =	shalt  }
0x46: {  	_ =	shalt  }
0x47: {  	_ =	shalt  }
0x48: {  	_ =	shalt  }
0x49: {  	_ =	shalt  }
0x4a: {  	_ =	shalt  }
0x4b: {  	_ =	shalt  }
0x4c: {  	_ =	shalt  }
0x4d: {  	_ =	shalt  }
0x4e: {  	_ =	shalt  }
0x4f: {  	_ =	shalt  }
0x50: {  	_ =	shalt  }
0x51: {  	_ =	shalt  }
0x52: {  	_ =	shalt  }
0x53: {  	_ =	shalt  }
0x54: {  	_ =	shalt  }
0x55: {  	_ =	shalt  }
0x56: {  	_ =	shalt  }
0x57: {  	_ =	shalt  }
0x58: {  	_ =	shalt  }
0x59: {  	_ =	shalt  }
0x5a: {  	_ =	shalt  }
0x5b: {  	_ =	shalt  }
0x5c: {  	_ =	shalt  }
0x5d: {  	_ =	shalt  }
0x5e: {  	_ =	shalt  }
0x5f: {  	_ =	shalt  }
0x60: {  	_ =	shalt  }
0x61: {  	_ =	shalt  }
0x62: {  	_ =	shalt  }
0x63: {  	_ =	shalt  }
0x64: {  	_ =	shalt  }
0x65: {  	_ =	shalt  }
0x66: {  	_ =	shalt  }
0x67: {  	_ =	shalt  }
0x68: {  	_ =	shalt  }
0x69: {  	_ =	shalt  }
0x6a: {  	_ =	shalt  }
0x6b: {  	_ =	shalt  }
0x6c: {  	_ =	shalt  }
0x6d: {  	_ =	shalt  }
0x6e: {  	_ =	shalt  }
0x6f: {  	_ =	shalt  }
0x70: {  	_ =	shalt  }
0x71: {  	_ =	shalt  }
0x72: {  	_ =	shalt  }
0x73: {  	_ =	shalt  }
0x74: {  	_ =	shalt  }
0x75: {  	_ =	shalt  }
0x76: {  	_ =	shalt  }
0x77: {  	_ =	shalt  }
0x78: {  	_ =	shalt  }
0x79: {  	_ =	shalt  }
0x7a: {  	_ =	shalt  }
0x7b: {  	_ =	shalt  }
0x7c: {  	_ =	shalt  }
0x7d: {  	_ =	shalt  }
0x7e: {  	_ =	shalt  }
0x7f: {  	_ =	shalt  }
0x80: {  	_ =	shalt  }
0x81: {  	_ =	shalt  }
0x82: {  	_ =	shalt  }
0x83: {  	_ =	shalt  }
0x84: {  	_ =	shalt  }
0x85: {  	_ =	shalt  }
0x86: {  	_ =	shalt  }
0x87: {  	_ =	shalt  }
.Lfunc_end0:
.L_simem_size_0:
called_computation_lowered:
.L_overlay_start_0:
0x88: {  	s2 =	sld [smem:$0x3FD9]  }
0x89: {  	s3 =	sld [smem:$0x3FFE];
	_ =	sdelay $0x1  }
0x8a: {  	s1 =	srdreg.scid  }
0x8b: {  	s0 =	sand.u32 $0x1, s1  }
0x8c: {  	s14 =	sshll.u32 s0, $0xA;
	s2 =	sadd.s32 s3, s2  }
0x8d: {  	s2 =	sadd.s32 s2, s14  }
0x8e: {  	[smem:$0x3FC1] =	sst s2  }
0x8f: {  	_ = 	snop  }
0x90: {  	s2 =	sld [smem:$0x3FD0];
	_ =	sdelay $0x2  }
0x91: {  	s15 =	simm.s32 $0xA;
	s4 =	simm.s32 $0x10  }
0x92: {  	[smem:s4], [sflag:s15] =	dma.local [hbm:s2], $0x1  }
0x93: {  	_ =	swait.eq [sflag:s15], $0x1  }
0x94: {  	s16 =	sld [smem:$0x10];
	[sflag:s15] =	ssyncset.done $0x0  }
0x95: {  	s17 =	sld [smem:$0x11];
	[sflag:s15] =	ssyncadd.s32 $0xFFFFFFFF  }
0x96: {  	s18 =	sld [smem:$0x12];
	(tm) =	ssettm $0x1  }
0x97: {  	s5 =	sld [smem:$0x3FFB];
	_ =	sdelay $0x3  }
0x98: {  	_ =	strace s5  }
0x99: {  	s5 =	sld [smem:$0x3FFC];
	_ =	sdelay $0x3  }
0x9a: {  	_ =	strace s5  }
0x9b: {  	s5 =	sld [smem:$0x3FFD];
	_ =	sdelay $0x3  }
0x9c: {  	_ =	strace s5  }
0x9d: {  	_ =	strace $0x8FFFFFFF  }
0x9e: {  	s19 =	sld [smem:$0x3FDB];
	_ =	sdelay $0x1  }
0x9f: {  	s6 =	simm.s32 $_scs_section_size  }
0xa0: {  	s7 =	simm.s32 $_size__tile_overlayer_lowered;
	s8 =	simm.s32 $_tile_overlayer_lowered  }
0xa1: {  	s22 =	simm.s32 $0x1BFF;
	s21 =	sshll.u32 s8, $0x1;
	s5 =	sadd.s32 s6, s19  }
0xa2: {  	s9 =	simm.s32 $0x0;
	s20 =	sshll.u32 s7, $0x1;
	s7 =	sadd.s32 s21, s5  }
0xa3: {  	[timem:s9], [sflag:s22] =	dma.local [hbm:s7], s20  }
0xa4: {  	_ =	swait.ge [sflag:s22], s20  }
0xa5: {  	s6 =	ssub.s32 $0x0, s20;
	[sflag:s22] =	ssyncset.done $0x0  }
0xa6: {  	[sflag:s22] =	ssyncadd.s32 s6;
	_ =	sdelay $0x1  }
0xa7: {  	s23 =	simm.s32 $0x1B8B  }
0xa8: {  	_ =	swait.ge [sflag:s23], $0x1  }
0xa9: {  	[sflag:s23] =	ssyncset.done $0x0  }
0xaa: {  	s25 =	simm.s32 $0x1B8E;
	s24 =	sld [smem:$0x3FFE];
	[sflag:s23] =	ssyncadd.s32 $0xFFFFFFFF  }
0xab: {  	s26 =	simm.s32 $execute0_lowered;
	[smem:$0x3FD2] =	sst s25  }
0xac: {  	s7 =	sshll.u32 s26, $0x1;
	_ =	strace $0x80000046;
	[dreg:$0x1] =	wrdreg $0xFFFFFFFF  }
0xad: {  	s28 =	simm.s32 $_size_execute0_lowered;
	s5 =	sadd.s32 s5, s7;
	[dreg:$0x0] =	wrdreg $0x0  }
0xae: {  	s7 =	sshll.u32 s28, $0x1;
	[dreg:$0x2] =	wrdreg s5  }
0xaf: {  	[dreg:$0x3] =	wrdreg s7  }
0xb0: {  	[dreg:$0x4] =	wrdreg $0xC0  }
0xb1: {  	_ =	task [dreg:s9], $0x5FFFF  }
0xb2: {  	[dreg:$0x1] =	wrdreg $0xFFFFFFFF  }
0xb3: {  	[dreg:$0x0] =	wrdreg $0x60  }
0xb4: {  	[dreg:$0x2] =	wrdreg s24  }
0xb5: {  	[dreg:$0x3] =	wrdreg s18  }
0xb6: {  	[dreg:$0x4] =	wrdreg s17  }
0xb7: {  	[dreg:$0x5] =	wrdreg s16  }
0xb8: {  	[dreg:$0x6] =	wrdreg $0x94800  }
0xb9: {  	[dreg:$0x7] =	wrdreg $0x92000  }
0xba: {  	[dreg:$0x8] =	wrdreg $0x9  }
0xbb: {  	_ =	task.clear_ibuf [dreg:s9], $0x9FFFF;
	_ =	strace $0x90000046  }
0xbc: {  	s29 =	simm.s32 $0x9;
	_ =	strace $0x80000048  }
0xbd: {  	_ =	swait.ge [sflag:s29], $0x1  }
0xbe: {  	[sflag:s29] =	ssyncadd.s32 $0xFFFFFFFF  }
0xbf: {  	_ =	strace $0x90000048  }
0xc0: {  	_ =	sfence  }
0xc1: {  	s30 =	sld [smem:$0x0];
	_ =	sdelay $0x2  }
0xc2: {  	s31 =	sshll.u32 s1, $0xD;
	s1 =	sshrl.u32 s1, $0x2  }
0xc3: {  	s3 =	sand.u32 $0x4000, s31;
	s1 =	sadd.s32 s1, s30  }
0xc4: {  	s0 =	sor.u32 s3, s0;
	s1 =	sshll.u32 s1, $0x11  }
0xc5: {  	s0 =	sor.u32 s1, s0  }
0xc6: {  	s0 =	sadd.s32 $0x8F2B, s0  }
0xc7: {  	[sflag:s0] =	ssyncadd.remote.s32 $0x1  }
0xc8: {  	_ =	sfence.sel $0xFFFF  }
0xc9: {  	[dreg:$0x0] =	wrdreg $0xFFFFFFFF;
	(pc) =	sbr.abs _section_cstart, $3  }
0xca: {  	[dreg:$0x1] =	wrdreg $0xFFFFFFFF  }
0xcb: {  	_ =	task.clear_ibuf [dreg:s9], $0x2FFFF;
	_ =	strace $0x9FFFFFFF  }
0xcc: {  	(tm) =	ssettm $0x7FFFFFFF  }
0xcd: {  	_ =	shalt  }
tec
execute0_lowered:
.L_overlay_start_1:
0x0: {  	(tag) =	ssettag $0x1  }
0x1: {  	s0 =	rddreg [dreg:$0x0]  }
0x2: {  	s2 =	rddreg [dreg:$0x2]  }
0x3: {  	s1 =	rddreg [dreg:$0x3]  }
0x4: {  	s3 =	rddreg [dreg:$0x4]  }
0x5: {  	s4 =	rddreg [dreg:$0x5];
	s6 =	simm.s32 $0x0  }
0x6: {  	s5 =	srdreg.scid;
	s15 =	stileid.u32;
	s28 =	simm.s32 $0x5080  }
0x7: {  	s29 =	simm.s32 $0x7200;
	s30 =	simm.s32 $0x5100;
	s31 =	simm.s32 $0x5180  }
0x8: {  	[smem:$0x7FF] =	sst s6;
	s5 =	sand.u32 $0x1, s5;
	s7 =	sadd.s32 $0x6A00, s0  }
0x9: {  	s8 =	sadd.s32 $0x1A00, s0;
	s9 =	smul.u32 $0x14000, s15;
	s10 =	sadd.s32 $0xE00, s0  }
0xa: {  	s16 =	sadd.s32 $0x1400, s0;
	s17 =	sadd.s32 $0xBA00, s0;
	s11 =	smul.u32 $0xA00, s15  }
0xb: {  	s12 =	sadd.s32 $0x5BC00, s0;
	s21 =	smul.u32 $0x500, s15;
	s22 =	sshll.u32 s15, $0x1  }
0xc: {  	s13 =	smul.u32 $0x50000, s15;
	_ =	strace $0x80000047;
	[dreg:$0x7] =	wrdreg s10  }
0xd: {  	s26 =	sshll.u32 s15, $0x6;
	s14 =	smul.u32 $0x140000, s5;
	[dreg:$0x8] =	wrdreg s16  }
0xe: {  	[dreg:$0x9] =	wrdreg s17;
	s18 =	ssub.s32 $0x2, s5;
	s17 =	simm.s32 $0x5  }
0xf: {  	s19 =	sshrl.u32 s18, $0x1;
	s23 =	sshrl.u32 s11, $0x2;
	s24 =	sshrl.u32 s13, $0x2  }
0x10: {  	s6 =	sadd.s32 s9, s14;
	s20 =	ssub.s32 s18, s19;
	s14 =	sshll.u32 s5, $0x7  }
0x11: {  	s5 =	sor.u32 s5, s22;
	s10 =	sadd.s32 s23, s4;
	s11 =	sadd.s32 s24, s3  }
0x12: {  	s18 =	simm.s32 $0x2780;
	s19 =	sor.u32 $0x1C05, s26;
	s22 =	simm.s32 $0x4F00  }
0x13: {  	s23 =	simm.s32 $0x5000;
	s24 =	simm.s32 $0x40;
	s26 =	simm.s32 $0x4F80  }
0x14: {  	s6 =	sshrl.u32 s6, $0x3;
	s9 =	sor.u32 s14, s21;
	s13 =	smul.u32 $0x1400, s5  }
0x15: {  	s25 =	smax.u32 s20, $0x1;
	s14 =	sshrl.u32 s10, $0x3;
	s15 =	sshrl.u32 s11, $0x3  }
0x16: {  	s5 =	simm.s32 $0x4;
	s0 =	sadd.s32 s6, s0;
	[dreg:$0xc] =	wrdreg s25  }
0x17: {  	s9 =	sshrl.u32 s9, $0x3;
	s25 =	simm.s32 $0x5200;
	[dreg:$0xd] =	wrdreg s14  }
0x18: {  	s6 =	simm.s32 $0x2;
	[dreg:$0xe] =	wrdreg s15;
	s1 =	sadd.s32 s1, s9  }
0x19: {  	s0 =	sadd.s32 $0xBC00, s0;
	s9 =	simm.s32 $0x0;
	[dreg:$0xa] =	wrdreg s1  }
0x1a: {  	[dreg:$0xb] =	wrdreg s0;
	s0 =	simm.s32 $0x1;
	s1 =	simm.s32 $0x3  }
.LBB2_1:
0x1b: {  	s10 =	simm.s32 $0x0;
	s11 =	rddreg [dreg:$0x7]  }
0x1c: {  	[tilespmem:s10], [sflag:$0x5] =	stream.linear.gather [hbm4b:s11+s10], $0x2780, $0x38;
	[tilespmem:$0x1D480] =	vst v63  }
0x1d: {  	_ =	swait.ge [sflag:s17], $0x2780  }
0x1e: {  	[sflag:s17] =	ssyncset.done $0x0  }
0x1f: {  	s16 =	rddreg [dreg:$0x8];
	[sflag:s17] =	ssyncadd.s32 $0xFFFFD880  }
0x20: {  	[tilespmem:s18], [sflag:$0x5] =	stream.linear.gather [hbm4b:s16+s10], $0x2780, $0x38;
	[tilespmem:$0x1D480] =	vst v63  }
0x21: {  	_ =	swait.ge [sflag:s17], $0x2780  }
0x22: {  	[sflag:s17] =	ssyncset.done $0x0  }
0x23: {  	s20 =	rddreg [dreg:$0x9];
	[sflag:s17] =	ssyncadd.s32 $0xFFFFD880  }
0x24: {  	[spmem:s14], [sflag:s19] =	dma.local [hbm:s20], $0x50  }
0x25: {  	_ =	swait.ge [sflag:s17], $0x50  }
0x26: {  	[sflag:s17] =	ssyncset.done $0x0  }
0x27: {  	[sflag:s17] =	ssyncadd.s32 $0xFFFFFFB0  }
0x28: {  	s21 =	rddreg [dreg:$0x1]  }
0x29: {  	[spmem:s15], [sflag:s19] =	dma.local [hbm:s21], $0x2800  }
0x2a: {  	_ =	swait.ge [sflag:s17], $0x2800  }
0x2b: {  	[sflag:s17] =	ssyncset.done $0x0  }
0x2c: {  	[sflag:s17] =	ssyncadd.s32 $0xFFFFD800  }
0x2d: {  	s10 =	simm.s32 $0x0;
	[bflag:$0x0] =	sbarrier.arrive $0xFFFF  }
.LBB2_2:
0x2e: {  	s11 =	sshll.u32 s10, $0x7  }
0x2f: {  	s14 =	sadd.s32 s13, s11  }
0x30: {  	s20 =	sshrl.u32 s14, $0x3  }
0x31: {  	s11 =	simm.s32 $0x0;
	s15 =	sadd.s32 s7, s20  }
0x32: {  	[tilespmem:s22], [sflag:$0x5] =	stream.linear.gather [hbm4b:s15+s11], $0x40, $0x38;
	[tilespmem:$0x1D480] =	vst v63  }
0x33: {  	_ =	swait.ge [sflag:s17], $0x40  }
0x34: {  	[sflag:s17] =	ssyncset.done $0x0  }
0x35: {  	s16 =	sadd.s32 s8, s20;
	[sflag:s17] =	ssyncadd.s32 $0xFFFFFFC0  }
0x36: {  	[tilespmem:s23], [sflag:$0x5] =	stream.linear.gather [hbm4b:s16+s11], $0x40, $0x38;
	[tilespmem:$0x1D480] =	vst v63  }
0x37: {  	_ =	swait.ge [sflag:s17], $0x40  }
0x38: {  	s16 =	sor.u32 $0x40, s14;
	[sflag:s17] =	ssyncset.done $0x0  }
0x39: {  	s15 =	sshrl.u32 s16, $0x3;
	[sflag:s17] =	ssyncadd.s32 $0xFFFFFFC0  }
0x3a: {  	[tilespmem:s25], [sflag:$0x1] =	stream.indirect.gather [hbm4b:s2+s24], $0x80, s22, s24, $0xb8;
	[tilespmem:$0x1D480] =	vst v63  }
0x3b: {  	s21 =	sadd.s32 s7, s15  }
0x3c: {  	[tilespmem:s26], [sflag:$0x5] =	stream.linear.gather [hbm4b:s21+s11], $0x40, $0x38;
	[tilespmem:$0x1D480] =	vst v63  }
0x3d: {  	_ =	swait.ge [sflag:s17], $0x40  }
0x3e: {  	[sflag:s17] =	ssyncset.done $0x0  }
0x3f: {  	s21 =	sadd.s32 s8, s15;
	[sflag:s17] =	ssyncadd.s32 $0xFFFFFFC0  }
0x40: {  	[tilespmem:s28], [sflag:$0x5] =	stream.linear.gather [hbm4b:s21+s11], $0x40, $0x38;
	[tilespmem:$0x1D480] =	vst v63  }
0x41: {  	_ =	swait.ge [sflag:s17], $0x40  }
0x42: {  	[sflag:s17] =	ssyncset.done $0x0  }
0x43: {  	[sflag:s17] =	ssyncadd.s32 $0xFFFFFFC0  }
0x44: {  	[tilespmem:s29], [sflag:$0x2] =	stream.indirect.gather [hbm4b:s2+s24], $0x80, s26, s24, $0xb8;
	[tilespmem:$0x1D480] =	vst v63  }
0x45: {  	v0 =	vld [tilespmem:$0x4F00]  }
0x46: {  	v1 =	vld [tilespmem:$0x5000];
	_ =	sdelay $0x6  }
0x47: {  	v0 =	vld.idx.msk [tilespmem:v0+s11+$0x0], $0xffff  }
0x48: {  	v1 =	vld.idx.msk [tilespmem:v1+s18+$0x0], $0xffff;
	_ =	sdelay $0x4  }
0x49: {  	v0 =	vadd.f32 v1, v0;
	_ =	sdelay $0x1  }
0x4a: {  	v1 =	vmul.f32 $2.000000030e-01, v0  }
0x4b: {  	vm0 =	vge.f32 v0, $0.0e+00  }
0x4c: {  	v0 =	vsel vm0, v0, v1  }
0x4d: {  	v0 =	vmul.f32 $1.442695020e+00, v0;
	_ =	sdelay $0x1  }
0x4e: {  	(erf) = vpow2.f32 v0;
	_ =	sdelay $0x3  }
0x4f: {  	v0 =	vld [tilespmem:$0x4F10]  }
0x50: {  	v1 =	vld [tilespmem:$0x5010];
	_ =	sdelay $0x3  }
0x51: {  	p0 =	slt.u32 s14, $0x27100;
	v2 =	vpop (erf)  }
0x52: {  	v2 =	vpsel !p0, $0x0, v2  }
0x53: {  	[tilespmem:$0x5100] =	vst v2  }
0x54: {  	v0 =	vld.idx.msk [tilespmem:v0+s11+$0x0], $0xffff  }
0x55: {  	v1 =	vld.idx.msk [tilespmem:v1+s18+$0x0], $0xffff;
	_ =	sdelay $0x4  }
0x56: {  	v0 =	vadd.f32 v1, v0;
	_ =	sdelay $0x1  }
0x57: {  	v1 =	vmul.f32 $2.000000030e-01, v0  }
0x58: {  	vm9 =	vge.f32 v0, $0.0e+00  }
0x59: {  	v0 =	vsel vm9, v0, v1  }
0x5a: {  	v0 =	vmul.f32 $1.442695020e+00, v0;
	_ =	sdelay $0x1  }
0x5b: {  	(erf) = vpow2.f32 v0;
	_ =	sdelay $0x3  }
0x5c: {  	v0 =	vld [tilespmem:$0x4F20]  }
0x5d: {  	v1 =	vld [tilespmem:$0x5020];
	_ =	sdelay $0x2  }
0x5e: {  	s21 =	sor.u32 $0x10, s14  }
0x5f: {  	p6 =	slt.u32 s21, $0x27100;
	v2 =	vpop (erf)  }
0x60: {  	v2 =	vpsel !p6, $0x0, v2  }
0x61: {  	[tilespmem:$0x5110] =	vst v2  }
0x62: {  	v0 =	vld.idx.msk [tilespmem:v0+s11+$0x0], $0xffff  }
0x63: {  	v1 =	vld.idx.msk [tilespmem:v1+s18+$0x0], $0xffff;
	_ =	sdelay $0x4  }
0x64: {  	v0 =	vadd.f32 v1, v0;
	_ =	sdelay $0x1  }
0x65: {  	v1 =	vmul.f32 $2.000000030e-01, v0  }
0x66: {  	vm10 =	vge.f32 v0, $0.0e+00  }
0x67: {  	v0 =	vsel vm10, v0, v1  }
0x68: {  	v0 =	vmul.f32 $1.442695020e+00, v0;
	_ =	sdelay $0x1  }
0x69: {  	(erf) = vpow2.f32 v0;
	_ =	sdelay $0x3  }
0x6a: {  	v0 =	vld [tilespmem:$0x4F30]  }
0x6b: {  	v1 =	vld [tilespmem:$0x5030];
	_ =	sdelay $0x2  }
0x6c: {  	s21 =	sor.u32 $0x20, s14  }
0x6d: {  	p1 =	slt.u32 s21, $0x27100;
	v2 =	vpop (erf)  }
0x6e: {  	v2 =	vpsel !p1, $0x0, v2  }
0x6f: {  	[tilespmem:$0x5120] =	vst v2  }
0x70: {  	v0 =	vld.idx.msk [tilespmem:v0+s11+$0x0], $0xffff  }
0x71: {  	v1 =	vld.idx.msk [tilespmem:v1+s18+$0x0], $0xffff;
	_ =	sdelay $0x4  }
0x72: {  	v0 =	vadd.f32 v1, v0;
	_ =	sdelay $0x1  }
0x73: {  	v1 =	vmul.f32 $2.000000030e-01, v0  }
0x74: {  	vm11 =	vge.f32 v0, $0.0e+00  }
0x75: {  	v0 =	vsel vm11, v0, v1  }
0x76: {  	v0 =	vmul.f32 $1.442695020e+00, v0;
	_ =	sdelay $0x1  }
0x77: {  	(erf) = vpow2.f32 v0;
	_ =	sdelay $0x7  }
0x78: {  	s21 =	sor.u32 $0x30, s14  }
0x79: {  	p2 =	slt.u32 s21, $0x27100;
	v0 =	vpop (erf)  }
0x7a: {  	v0 =	vpsel !p2, $0x0, v0  }
0x7b: {  	s20 =	sadd.s32 s12, s20;
	[tilespmem:$0x5130] =	vst v0  }
0x7c: {  	[hbm4b:s20+s11] =	stream.linear.scatter [tilespmem:s30], [sflag:$0x3], $0x40, $0x38;
	[tilespmem:$0x1D480] =	vst v63  }
0x7d: {  	_ = 	snop  }
0x7e: {  	[spmem:s4] =	stream.indirect.scatter.add.f32 [tilespmem:s30], [sflag:$0x5], $0x1, s23, s24, $0xb8;
	[tilespmem:$0x1D480] =	vst v63  }
0x7f: {  	_ =	swait.ge [sflag:s17], $0x40  }
0x80: {  	[sflag:s17] =	ssyncset.done $0x0  }
0x81: {  	[sflag:s17] =	ssyncadd.s32 $0xFFFFFFC0  }
0x82: {  	v0 =	vld [tilespmem:$0x4F80]  }
0x83: {  	v1 =	vld [tilespmem:$0x5080];
	_ =	sdelay $0x6  }
0x84: {  	v0 =	vld.idx.msk [tilespmem:v0+s11+$0x0], $0xffff  }
0x85: {  	v1 =	vld.idx.msk [tilespmem:v1+s18+$0x0], $0xffff;
	_ =	sdelay $0x4  }
0x86: {  	v0 =	vadd.f32 v1, v0;
	_ =	sdelay $0x1  }
0x87: {  	v1 =	vmul.f32 $2.000000030e-01, v0  }
0x88: {  	vm12 =	vge.f32 v0, $0.0e+00  }
0x89: {  	v0 =	vsel vm12, v0, v1  }
0x8a: {  	v0 =	vmul.f32 $1.442695020e+00, v0;
	_ =	sdelay $0x1  }
0x8b: {  	(erf) = vpow2.f32 v0;
	_ =	sdelay $0x3  }
0x8c: {  	v0 =	vld [tilespmem:$0x4F90]  }
0x8d: {  	v1 =	vld [tilespmem:$0x5090];
	_ =	sdelay $0x3  }
0x8e: {  	p3 =	slt.u32 s16, $0x27100;
	v2 =	vpop (erf)  }
0x8f: {  	v2 =	vpsel !p3, $0x0, v2  }
0x90: {  	[tilespmem:$0x5180] =	vst v2  }
0x91: {  	v0 =	vld.idx.msk [tilespmem:v0+s11+$0x0], $0xffff  }
0x92: {  	v1 =	vld.idx.msk [tilespmem:v1+s18+$0x0], $0xffff;
	_ =	sdelay $0x4  }
0x93: {  	v0 =	vadd.f32 v1, v0;
	_ =	sdelay $0x1  }
0x94: {  	v1 =	vmul.f32 $2.000000030e-01, v0  }
0x95: {  	vm13 =	vge.f32 v0, $0.0e+00  }
0x96: {  	v0 =	vsel vm13, v0, v1  }
0x97: {  	v0 =	vmul.f32 $1.442695020e+00, v0;
	_ =	sdelay $0x1  }
0x98: {  	(erf) = vpow2.f32 v0;
	_ =	sdelay $0x3  }
0x99: {  	v0 =	vld [tilespmem:$0x4FA0]  }
0x9a: {  	v1 =	vld [tilespmem:$0x50A0];
	_ =	sdelay $0x2  }
0x9b: {  	s20 =	sor.u32 $0x50, s14  }
0x9c: {  	p4 =	slt.u32 s20, $0x27100;
	v2 =	vpop (erf)  }
0x9d: {  	v2 =	vpsel !p4, $0x0, v2  }
0x9e: {  	[tilespmem:$0x5190] =	vst v2  }
0x9f: {  	v0 =	vld.idx.msk [tilespmem:v0+s11+$0x0], $0xffff  }
0xa0: {  	v1 =	vld.idx.msk [tilespmem:v1+s18+$0x0], $0xffff;
	_ =	sdelay $0x4  }
0xa1: {  	v0 =	vadd.f32 v1, v0;
	_ =	sdelay $0x1  }
0xa2: {  	v1 =	vmul.f32 $2.000000030e-01, v0  }
0xa3: {  	vm14 =	vge.f32 v0, $0.0e+00  }
0xa4: {  	v0 =	vsel vm14, v0, v1  }
0xa5: {  	v0 =	vmul.f32 $1.442695020e+00, v0;
	_ =	sdelay $0x1  }
0xa6: {  	(erf) = vpow2.f32 v0;
	_ =	sdelay $0x3  }
0xa7: {  	v0 =	vld [tilespmem:$0x4FB0]  }
0xa8: {  	v1 =	vld [tilespmem:$0x50B0];
	_ =	sdelay $0x2  }
0xa9: {  	s21 =	sor.u32 $0x60, s14  }
0xaa: {  	p5 =	slt.u32 s21, $0x27100;
	v2 =	vpop (erf)  }
0xab: {  	v2 =	vpsel !p5, $0x0, v2  }
0xac: {  	[tilespmem:$0x51A0] =	vst v2  }
0xad: {  	v0 =	vld.idx.msk [tilespmem:v0+s11+$0x0], $0xffff  }
0xae: {  	v1 =	vld.idx.msk [tilespmem:v1+s18+$0x0], $0xffff;
	_ =	sdelay $0x4  }
0xaf: {  	v0 =	vadd.f32 v1, v0;
	_ =	sdelay $0x1  }
0xb0: {  	v1 =	vmul.f32 $2.000000030e-01, v0  }
0xb1: {  	vm15 =	vge.f32 v0, $0.0e+00  }
0xb2: {  	v0 =	vsel vm15, v0, v1  }
0xb3: {  	v0 =	vmul.f32 $1.442695020e+00, v0;
	_ =	sdelay $0x1  }
0xb4: {  	(erf) = vpow2.f32 v0;
	_ =	sdelay $0x7  }
0xb5: {  	s14 =	sor.u32 $0x70, s14  }
0xb6: {  	p6 =	slt.u32 s14, $0x27100;
	v0 =	vpop (erf)  }
0xb7: {  	v0 =	vpsel !p6, $0x0, v0  }
0xb8: {  	s20 =	sadd.s32 s12, s15;
	[tilespmem:$0x51B0] =	vst v0  }
0xb9: {  	[hbm4b:s20+s11] =	stream.linear.scatter [tilespmem:s31], [sflag:$0x4], $0x40, $0x38;
	[tilespmem:$0x1D480] =	vst v63  }
0xba: {  	_ = 	snop  }
0xbb: {  	v0 =	vmov s11;
	[spmem:s4] =	stream.indirect.scatter.add.f32 [tilespmem:s31], [sflag:$0x5], $0x1, s28, s24, $0xb8;
	[tilespmem:$0x1D480] =	vst v63  }
0xbc: {  	v0 =	vand.u32 $0xFFFFFFFE, v0;
	_ =	swait.ge [sflag:s17], $0x40  }
0xbd: {  	v1 =	vbroadcast v0, $0x0;
	[sflag:s17] =	ssyncset.done $0x0  }
0xbe: {  	[sflag:s17] =	ssyncadd.s32 $0xFFFFFFC0  }
0xbf: {  	_ =	swait.ge [sflag:s0], $0x2000  }
0xc0: {  	[sflag:s0] =	ssyncset.done $0x0  }
0xc1: {  	s11 =	simm.s32 $0x5280;
	[sflag:s0] =	ssyncadd.s32 $0xFFFFE000  }
0xc2: {  	v4 =	vld [tilespmem:s11+$0xFFFFFFF0]  }
0xc3: {  	v5 =	vld.idx.msk [tilespmem:v1+s30+$0x0], $0xffff  }
0xc4: {  	v6 =	vld [tilespmem:s11+$0xFFFFFF80]  }
0xc5: {  	v7 =	vld [tilespmem:s11+$0xFFFFFFA0]  }
0xc6: {  	v3 =	vld [tilespmem:s11+$0xFFFFFFB0]  }
0xc7: {  	v2 =	vld [tilespmem:s11+$0xFFFFFFD0]  }
0xc8: {  	v9 =	vld [tilespmem:s11+$0xFFFFFF90];
	v4 =	vmul.f32 v4, v5  }
0xc9: {  	v8 =	vld [tilespmem:s11+$0xFFFFFFE0];
	v6 =	vmul.f32 v6, v5  }
0xca: {  	v10 =	vld [tilespmem:s11+$0xFFFFFFC0];
	v7 =	vmul.f32 v7, v5;
	[tilespmem:s11+$0xFFFFFFF0] =	vst v4  }
0xcb: {  	v3 =	vmul.f32 v3, v5;
	[tilespmem:s11+$0xFFFFFF80] =	vst v6  }
0xcc: {  	s21 =	simm.s32 $0x1;
	v2 =	vmul.f32 v2, v5;
	[tilespmem:s11+$0xFFFFFFA0] =	vst v7  }
0xcd: {  	v4 =	vmul.f32 v9, v5;
	[tilespmem:s11+$0xFFFFFFB0] =	vst v3;
	v6 =	vmov s21  }
0xce: {  	v0 =	vld [tilespmem:s11+$0x0];
	v3 =	vmul.f32 v8, v5;
	[tilespmem:s11+$0xFFFFFFD0] =	vst v2  }
0xcf: {  	v1 =	vld [tilespmem:s11+$0x10];
	v2 =	vmul.f32 v10, v5;
	[tilespmem:s11+$0xFFFFFF90] =	vst v4  }
0xd0: {  	[tilespmem:s11+$0xFFFFFFE0] =	vst v3;
	v4 =	vld [tilespmem:s11+$0x30]  }
0xd1: {  	[tilespmem:s11+$0xFFFFFFC0] =	vst v2;
	v3 =	vld [tilespmem:s11+$0x70]  }
0xd2: {  	s14 =	simm.s32 $0x2;
	s15 =	simm.s32 $0x5280;
	v2 =	vld.idx.msk [tilespmem:v6+s30+$0x0], $0xffff  }
.LBB2_3:
0xd3: {  	p0 =	slt.u32 s14, $0x3E  }
0xd4: {  	v5 =	vld [tilespmem:s11+$0x20];
	s15 =	sadd.s32 $0x100, s15;
	s16 =	smov.u32 s14;
	s14 =	sadd.s32 $0x2, s14  }
0xd5: {  	v6 =	vld [tilespmem:s11+$0x40]  }
0xd6: {  	v7 =	vld [tilespmem:s11+$0x50]  }
0xd7: {  	v8 =	vld [tilespmem:s11+$0x60];
	_ =	sdelay $0x1  }
0xd8: {  	v0 =	vmul.f32 v0, v2;
	v1 =	vmul.f32 v1, v2  }
0xd9: {  	v4 =	vmul.f32 v4, v2;
	v5 =	vmul.f32 v5, v2  }
0xda: {  	v9 =	vmov s16;
	v6 =	vmul.f32 v6, v2;
	[tilespmem:s11+$0x0] =	vst v0;
	v7 =	vmul.f32 v7, v2  }
0xdb: {  	v9 =	vand.u32 $0xFFFFFFFE, v9;
	v0 =	vld [tilespmem:s15+$0x0];
	[tilespmem:s11+$0x30] =	vst v4;
	v4 =	vmul.f32 v8, v2;
	v2 =	vmul.f32 v3, v2  }
0xdc: {  	v3 =	vbroadcast v9, $0x0;
	[tilespmem:s11+$0x10] =	vst v1  }
0xdd: {  	[tilespmem:s11+$0x70] =	vst v2  }
0xde: {  	v2 =	vld [tilespmem:s15+$0xFFFFFFD0];
	[tilespmem:s11+$0x20] =	vst v5  }
0xdf: {  	v5 =	vld [tilespmem:s15+$0xFFFFFFB0];
	[tilespmem:s11+$0x60] =	vst v4  }
0xe0: {  	v4 =	vld [tilespmem:s15+$0xFFFFFFE0];
	[tilespmem:s11+$0x40] =	vst v6  }
0xe1: {  	v6 =	vld [tilespmem:s15+$0xFFFFFFF0];
	[tilespmem:s11+$0x50] =	vst v7;
	s11 =	smov.u32 s15  }
0xe2: {  	v3 =	vld.idx.msk [tilespmem:v3+s30+$0x0], $0xffff  }
0xe3: {  	v7 =	vld [tilespmem:s15+$0xFFFFFF80]  }
0xe4: {  	v8 =	vld [tilespmem:s15+$0xFFFFFFA0]  }
0xe5: {  	v9 =	vld [tilespmem:s15+$0xFFFFFF90]  }
0xe6: {  	v10 =	vld [tilespmem:s15+$0xFFFFFFC0]  }
0xe7: {  	v1 =	vld [tilespmem:s15+$0x10]  }
0xe8: {  	v6 =	vmul.f32 v6, v3;
	v7 =	vmul.f32 v7, v3  }
0xe9: {  	v4 =	vmul.f32 v4, v3;
	v8 =	vmul.f32 v8, v3  }
0xea: {  	v5 =	vmul.f32 v5, v3;
	v9 =	vmul.f32 v9, v3;
	[tilespmem:s15+$0xFFFFFFF0] =	vst v6  }
0xeb: {  	v2 =	vmul.f32 v2, v3;
	[tilespmem:s15+$0xFFFFFF80] =	vst v7;
	v6 =	vmul.f32 v10, v3  }
0xec: {  	s16 =	sadd.s32 $0x1, s16;
	[tilespmem:s15+$0xFFFFFFA0] =	vst v8  }
0xed: {  	[tilespmem:s15+$0xFFFFFFB0] =	vst v5;
	v5 =	vmov s16  }
.Ltmp0:
0xee: {  	[tilespmem:s15+$0xFFFFFFD0] =	vst v2;
	(pc) =	sbr.rel @p0 .LBB2_3-.Ltmp0, $4  }
0xef: {  	[tilespmem:s15+$0xFFFFFF90] =	vst v9  }
0xf0: {  	[tilespmem:s15+$0xFFFFFFE0] =	vst v4;
	v4 =	vld [tilespmem:s15+$0x30]  }
0xf1: {  	[tilespmem:s15+$0xFFFFFFC0] =	vst v6;
	v3 =	vld [tilespmem:s15+$0x70]  }
0xf2: {  	v2 =	vld.idx.msk [tilespmem:v5+s30+$0x0], $0xffff  }
0xf3: {  	_ =	sdelay $0x2  }
0xf4: {  	v5 =	vld [tilespmem:s11+$0x20]  }
0xf5: {  	v6 =	vld [tilespmem:s11+$0x60];
	v0 =	vmul.f32 v0, v2  }
0xf6: {  	v7 =	vld [tilespmem:s11+$0x40];
	v4 =	vmul.f32 v4, v2  }
0xf7: {  	v8 =	vld [tilespmem:s11+$0x50];
	v1 =	vmul.f32 v1, v2;
	[tilespmem:s11+$0x0] =	vst v0  }
0xf8: {  	[tilespmem:s11+$0x30] =	vst v4;
	v0 =	vmul.f32 v3, v2  }
0xf9: {  	v3 =	vmul.f32 v5, v2;
	[tilespmem:s11+$0x10] =	vst v1  }
0xfa: {  	v1 =	vmul.f32 v6, v2;
	[tilespmem:s11+$0x70] =	vst v0  }
0xfb: {  	v0 =	vmul.f32 v7, v2;
	[tilespmem:s11+$0x20] =	vst v3  }
0xfc: {  	v2 =	vmul.f32 v8, v2;
	[tilespmem:s11+$0x60] =	vst v1  }
0xfd: {  	[tilespmem:s11+$0x40] =	vst v0  }
0xfe: {  	s21 =	simm.s32 $0x0;
	[tilespmem:s11+$0x50] =	vst v2  }
0xff: {  	v0 =	vmov s21;
	[spmem:s3] =	stream.indirect.scatter.add.f32 [tilespmem:s25], [sflag:$0x5], $0x80, s23, s24, $0xb8;
	[tilespmem:$0x1D480] =	vst v63  }
0x100: {  	v0 =	vand.u32 $0xFFFFFFFE, v0;
	_ =	swait.ge [sflag:s17], $0x2000  }
0x101: {  	v1 =	vbroadcast v0, $0x0;
	[sflag:s17] =	ssyncset.done $0x0  }
0x102: {  	[sflag:s17] =	ssyncadd.s32 $0xFFFFE000  }
0x103: {  	_ =	swait.ge [sflag:s6], $0x2000  }
0x104: {  	[sflag:s6] =	ssyncset.done $0x0  }
0x105: {  	s11 =	simm.s32 $0x7280;
	[sflag:s6] =	ssyncadd.s32 $0xFFFFE000  }
0x106: {  	v4 =	vld [tilespmem:s11+$0xFFFFFFF0]  }
0x107: {  	v5 =	vld.idx.msk [tilespmem:v1+s31+$0x0], $0xffff  }
0x108: {  	v6 =	vld [tilespmem:s11+$0xFFFFFF80]  }
0x109: {  	v7 =	vld [tilespmem:s11+$0xFFFFFFA0]  }
0x10a: {  	v3 =	vld [tilespmem:s11+$0xFFFFFFB0]  }
0x10b: {  	v2 =	vld [tilespmem:s11+$0xFFFFFFD0]  }
0x10c: {  	v9 =	vld [tilespmem:s11+$0xFFFFFF90];
	v4 =	vmul.f32 v4, v5  }
0x10d: {  	v63 =	vld [tilespmem:s11+$0xFFFFFFE0];
	v6 =	vmul.f32 v6, v5  }
0x10e: {  	v10 =	vld [tilespmem:s11+$0xFFFFFFC0];
	v7 =	vmul.f32 v7, v5;
	[tilespmem:s11+$0xFFFFFFF0] =	vst v4  }
0x10f: {  	v3 =	vmul.f32 v3, v5;
	[tilespmem:s11+$0xFFFFFF80] =	vst v6  }
0x110: {  	s14 =	simm.s32 $0x1;
	v2 =	vmul.f32 v2, v5;
	[tilespmem:s11+$0xFFFFFFA0] =	vst v7  }
0x111: {  	v4 =	vmul.f32 v9, v5;
	[tilespmem:s11+$0xFFFFFFB0] =	vst v3;
	v6 =	vmov s14  }
0x112: {  	v0 =	vld [tilespmem:s11+$0x0];
	v3 =	vmul.f32 v63, v5;
	[tilespmem:s11+$0xFFFFFFD0] =	vst v2  }
0x113: {  	v1 =	vld [tilespmem:s11+$0x10];
	v2 =	vmul.f32 v10, v5;
	[tilespmem:s11+$0xFFFFFF90] =	vst v4  }
0x114: {  	[tilespmem:s11+$0xFFFFFFE0] =	vst v3;
	v4 =	vld [tilespmem:s11+$0x30]  }
0x115: {  	[tilespmem:s11+$0xFFFFFFC0] =	vst v2;
	v3 =	vld [tilespmem:s11+$0x70]  }
0x116: {  	s15 =	simm.s32 $0x7280;
	s14 =	simm.s32 $0x2;
	v2 =	vld.idx.msk [tilespmem:v6+s31+$0x0], $0xffff  }
.LBB2_5:
0x117: {  	p0 =	slt.u32 s14, $0x3E  }
0x118: {  	v5 =	vld [tilespmem:s11+$0x20];
	s15 =	sadd.s32 $0x100, s15;
	s16 =	smov.u32 s14;
	s14 =	sadd.s32 $0x2, s14  }
0x119: {  	v6 =	vld [tilespmem:s11+$0x40]  }
0x11a: {  	v7 =	vld [tilespmem:s11+$0x50]  }
0x11b: {  	v8 =	vld [tilespmem:s11+$0x60];
	_ =	sdelay $0x1  }
0x11c: {  	v0 =	vmul.f32 v0, v2;
	v1 =	vmul.f32 v1, v2  }
0x11d: {  	v4 =	vmul.f32 v4, v2;
	v5 =	vmul.f32 v5, v2  }
0x11e: {  	v9 =	vmov s16;
	v6 =	vmul.f32 v6, v2;
	[tilespmem:s11+$0x0] =	vst v0;
	v7 =	vmul.f32 v7, v2  }
0x11f: {  	v9 =	vand.u32 $0xFFFFFFFE, v9;
	v0 =	vld [tilespmem:s15+$0x0];
	[tilespmem:s11+$0x30] =	vst v4;
	v4 =	vmul.f32 v8, v2;
	v2 =	vmul.f32 v3, v2  }
0x120: {  	v3 =	vbroadcast v9, $0x0;
	[tilespmem:s11+$0x10] =	vst v1  }
0x121: {  	[tilespmem:s11+$0x70] =	vst v2  }
0x122: {  	v2 =	vld [tilespmem:s15+$0xFFFFFFD0];
	[tilespmem:s11+$0x20] =	vst v5  }
0x123: {  	v5 =	vld [tilespmem:s15+$0xFFFFFFB0];
	[tilespmem:s11+$0x60] =	vst v4  }
0x124: {  	v4 =	vld [tilespmem:s15+$0xFFFFFFE0];
	[tilespmem:s11+$0x40] =	vst v6  }
0x125: {  	v6 =	vld [tilespmem:s15+$0xFFFFFFF0];
	[tilespmem:s11+$0x50] =	vst v7;
	s11 =	smov.u32 s15  }
0x126: {  	v3 =	vld.idx.msk [tilespmem:v3+s31+$0x0], $0xffff  }
0x127: {  	v7 =	vld [tilespmem:s15+$0xFFFFFF80]  }
0x128: {  	v8 =	vld [tilespmem:s15+$0xFFFFFFA0]  }
0x129: {  	v9 =	vld [tilespmem:s15+$0xFFFFFF90]  }
0x12a: {  	v10 =	vld [tilespmem:s15+$0xFFFFFFC0]  }
0x12b: {  	v1 =	vld [tilespmem:s15+$0x10]  }
0x12c: {  	v6 =	vmul.f32 v6, v3;
	v7 =	vmul.f32 v7, v3  }
0x12d: {  	v4 =	vmul.f32 v4, v3;
	v8 =	vmul.f32 v8, v3  }
0x12e: {  	v5 =	vmul.f32 v5, v3;
	v9 =	vmul.f32 v9, v3;
	[tilespmem:s15+$0xFFFFFFF0] =	vst v6  }
0x12f: {  	v2 =	vmul.f32 v2, v3;
	[tilespmem:s15+$0xFFFFFF80] =	vst v7;
	v6 =	vmul.f32 v10, v3  }
0x130: {  	s16 =	sadd.s32 $0x1, s16;
	[tilespmem:s15+$0xFFFFFFA0] =	vst v8  }
0x131: {  	[tilespmem:s15+$0xFFFFFFB0] =	vst v5;
	v5 =	vmov s16  }
.Ltmp1:
0x132: {  	[tilespmem:s15+$0xFFFFFFD0] =	vst v2;
	(pc) =	sbr.rel @p0 .LBB2_5-.Ltmp1, $4  }
0x133: {  	[tilespmem:s15+$0xFFFFFF90] =	vst v9  }
0x134: {  	[tilespmem:s15+$0xFFFFFFE0] =	vst v4;
	v4 =	vld [tilespmem:s15+$0x30]  }
0x135: {  	[tilespmem:s15+$0xFFFFFFC0] =	vst v6;
	v3 =	vld [tilespmem:s15+$0x70]  }
0x136: {  	v2 =	vld.idx.msk [tilespmem:v5+s31+$0x0], $0xffff  }
0x137: {  	_ =	sdelay $0x2  }
0x138: {  	v5 =	vld [tilespmem:s11+$0x20]  }
0x139: {  	v6 =	vld [tilespmem:s11+$0x60];
	v0 =	vmul.f32 v0, v2  }
0x13a: {  	v7 =	vld [tilespmem:s11+$0x40];
	v4 =	vmul.f32 v4, v2  }
0x13b: {  	v8 =	vld [tilespmem:s11+$0x50];
	v1 =	vmul.f32 v1, v2;
	[tilespmem:s11+$0x0] =	vst v0  }
0x13c: {  	v59 =	vmul.f32 v3, v2;
	[tilespmem:s11+$0x30] =	vst v4  }
0x13d: {  	v60 =	vmul.f32 v5, v2;
	[tilespmem:s11+$0x10] =	vst v1  }
0x13e: {  	v61 =	vmul.f32 v6, v2;
	[tilespmem:s11+$0x70] =	vst v59  }
0x13f: {  	v62 =	vmul.f32 v7, v2;
	[tilespmem:s11+$0x20] =	vst v60  }
0x140: {  	v63 =	vmul.f32 v8, v2;
	[tilespmem:s11+$0x60] =	vst v61  }
0x141: {  	[tilespmem:s11+$0x40] =	vst v62  }
0x142: {  	[tilespmem:s11+$0x50] =	vst v63  }
0x143: {  	[spmem:s3] =	stream.indirect.scatter.add.f32 [tilespmem:s29], [sflag:$0x5], $0x80, s28, s24, $0xb8;
	[tilespmem:$0x1D480] =	vst v63  }
0x144: {  	_ =	swait.ge [sflag:s17], $0x2000  }
0x145: {  	[sflag:s17] =	ssyncset.done $0x0  }
0x146: {  	s10 =	sadd.s32 $0x1, s10;
	[sflag:s17] =	ssyncadd.s32 $0xFFFFE000  }
0x147: {  	p0 =	sne.s32 s10, $0x28;
	_ =	swait.ge [sflag:s1], $0x40  }
.Ltmp2:
0x148: {  	[sflag:s1] =	ssyncset.done $0x0;
	(pc) =	sbr.rel @p0 .LBB2_2-.Ltmp2, $4  }
0x149: {  	[sflag:s1] =	ssyncadd.s32 $0xFFFFFFC0  }
0x14a: {  	_ =	swait.ge [sflag:s5], $0x40  }
0x14b: {  	[sflag:s5] =	ssyncset.done $0x0  }
0x14c: {  	[sflag:s5] =	ssyncadd.s32 $0xFFFFFFC0  }
0x14d: {  	[bflag:$0x0] =	sbarrier.arrive $0xFFFF  }
0x14e: {  	s10 =	rddreg [dreg:$0xa]  }
0x14f: {  	s11 =	simm.s32 $0x20;
	s15 =	simm.s32 $0x10;
	s14 =	rddreg [dreg:$0xd]  }
0x150: {  	[hbm:s10@s11], [sflag:s19] =	dma.strided [spmem:s14@s15], $0x50, s0, $0x10   }
0x151: {  	_ =	swait.ge [sflag:s17], $0x50  }
0x152: {  	[sflag:s17] =	ssyncset.done $0x0;
	s20 =	rddreg [dreg:$0xb]  }
0x153: {  	s15 =	rddreg [dreg:$0xe];
	[sflag:s17] =	ssyncadd.s32 $0xFFFFFFB0  }
0x154: {  	[hbm:s20], [sflag:s19] =	dma.local [spmem:s15], $0x2800  }
0x155: {  	_ =	swait.ge [sflag:s17], $0x2800  }
0x156: {  	s9 =	sadd.s32 $0x1, s9;
	s21 =	rddreg [dreg:$0xc]  }
0x157: {  	p0 =	sne.s32 s9, s21  }
.Ltmp3:
0x158: {  	_ = 	snop;
	(pc) =	sbr.rel @p0 .LBB2_1-.Ltmp3, $3  }
0x159: {  	_ =	sdelay $0x1  }
0x15a: {  	[sflag:s17] =	ssyncset.done $0x0  }
0x15b: {  	[sflag:s17] =	ssyncadd.s32 $0xFFFFD800  }
0x15c: {  	_ =	sfence.sel $0x180000  }
0x15d: {  	[bflag:$0x0] =	sbarrier.arrive $0xFFFF  }
0x15e: {  	_ =	strace $0x90000047  }
0x15f: {  	s0 =	stileid.u32;
	[bflag:$0x2] =	sbarrier.arrive $0xFFFF  }
0x160: {  	p0 =	sne.s32 s0, $0x0;
	s0 =	rddreg [dreg:$0x6]  }
0x161: {  	s0 =	sadd.s32 @!p0 $0x100000, s0  }
0x162: {  	[sflag:s0] =	ssyncadd.tile.s32 @!p0 $0x1;
	_ =	shalt  }
.Lfunc_end2:
_tile_overlayer_lowered:
.L_overlay_start_2:
0x163: {  	(tag) =	ssettag $0x2  }
0x164: {  	s0 =	rddreg [dreg:$0x0];
	s2 =	stileid.u32  }
0x165: {  	s1 =	rddreg [dreg:$0x1];
	p0 =	sne.s32 s2, $0x0  }
0x166: {  	s3 =	rddreg [dreg:$0x2];
	[bflag:$0x3] =	sbarrier.arrive $0xFFFF;
	s2 =	simm.s32 @!p0 $0x1C05  }
0x167: {  	[timem:s3], [sflag:s2] =	dma.local @!p0 [hbm:s0], s1  }
0x168: {  	s0 =	simm.s32 @!p0 $0x5  }
0x169: {  	_ =	swait.ge @!p0 [sflag:s0], s1  }
0x16a: {  	s1 =	ssub.s32 @!p0 $0x0, s1;
	[sflag:s0] =	ssyncset.done @!p0 $0x0  }
0x16b: {  	[sflag:s0] =	ssyncadd.s32 @!p0 s1  }
0x16c: {  	[bflag:$0x3] =	sbarrier.arrive $0xFFFF  }
0x16d: {  	_ =	shalt  }

</sc_bundles>
